<compile_context>
chip_gen: v7x
topology: tpu7x:2x2x1
jax: 0.10.2.dev20260603
libtpu: 0.0.44.dev20260713+nightly
codegen_flags: <defaults>
</compile_context>

<pallas_src>
import functools

import jax
import jax.numpy as jnp
from jax import lax
from jax.experimental import pallas as pl
from jax.experimental.pallas import tpu as pltpu
from jax.experimental.pallas import tpu_sc as plsc

B, N, NPOINT, SP_NUM = 2, 8192, 1024, 64
K1, K2, K3, K4 = 32, 16, 32, 16
C_IN, C1, D1, D2, CW2, CP, C_OUT = 32, 64, 16, 16, 96, 64, 128
CG1 = D1 + C1

NW = 32



def _fps_kernel_body(npoint, rows, cols):
    irows = max(npoint // 128, 1)

    def body(xyz_ref, out_ref):
        v = xyz_ref[...]
        flat = (
            lax.broadcasted_iota(jnp.int32, (rows, cols), 0) * cols
            + lax.broadcasted_iota(jnp.int32, (rows, cols), 1)
        )[None]
        pos = (
            lax.broadcasted_iota(jnp.int32, (irows, 128), 0) * 128
            + lax.broadcasted_iota(jnp.int32, (irows, 128), 1)
        )[None]

        def step(i, state):
            idxs, dists, far = state
            idxs = jnp.where(pos == i, far, idxs)
            sel = flat == far
            fxyz = jnp.sum(
                jnp.where(sel[:, None], v, 0.0), axis=(2, 3), keepdims=True
            )
            d = (
                (v[:, 0] - fxyz[:, 0]) ** 2
                + (v[:, 1] - fxyz[:, 1]) ** 2
                + (v[:, 2] - fxyz[:, 2]) ** 2
            )
            dists = jnp.minimum(dists, d)
            far2 = jnp.argmax(
                dists.reshape(B, rows * cols), axis=1
            ).astype(jnp.int32)[:, None, None]
            return (idxs, dists, far2)

        idxs0 = jnp.zeros((B, irows, 128), jnp.int32)
        d0 = jnp.full((B, rows, cols), 1e10, jnp.float32)
        far0 = jnp.zeros((B, 1, 1), jnp.int32)
        idxs, _, _ = lax.fori_loop(0, npoint, step, (idxs0, d0, far0))
        boff = lax.broadcasted_iota(jnp.int32, (B, irows, 128), 0) * (rows * cols)
        out_ref[...] = idxs + boff

    return body, irows


def _fps(xyz, npoint):
    n = xyz.shape[1]
    cols = 1024 if n >= 8192 else 128
    rows = n // cols
    xyz_t = jnp.transpose(xyz, (0, 2, 1)).reshape(B, 3, rows, cols)
    body, irows = _fps_kernel_body(npoint, rows, cols)
    out = pl.pallas_call(
        body,
        grid=(1,),
        in_specs=[pl.BlockSpec((B, 3, rows, cols), lambda i: (0, 0, 0, 0))],
        out_specs=pl.BlockSpec((B, irows, 128), lambda i: (0, 0, 0)),
        out_shape=jax.ShapeDtypeStruct((B, irows, 128), jnp.int32),
    )(xyz_t)
    return out.reshape(B, irows * 128)[:, :npoint]



def _knn_body(k, masked):
    def body(q_ref, r_ref, out_ref):
        q = q_ref[0]
        qb = q.shape[0]
        nr = r_ref.shape[2]
        rx = r_ref[0, 0:1, :]
        ry = r_ref[0, 1:2, :]
        rz = r_ref[0, 2:3, :]
        d = (q[:, 0:1] - rx) ** 2 + (q[:, 1:2] - ry) ** 2 + (q[:, 2:3] - rz) ** 2
        if masked:
            rc = r_ref[0, 3:4, :]
            d = d + 1e9 * (q[:, 3:4] != rc).astype(jnp.float32)
        col = lax.broadcasted_iota(jnp.int32, (qb, nr), 1)
        kcol = lax.broadcasted_iota(jnp.int32, (qb, k), 1)

        def ext(j, state):
            dd, idxs, prev = state
            dd = jnp.where(col == prev, jnp.inf, dd)
            idx = jnp.argmin(dd, axis=1).astype(jnp.int32)[:, None]
            idxs = jnp.where(kcol == j, idx, idxs)
            return dd, idxs, idx

        _, idxs, _ = lax.fori_loop(
            0, k, ext,
            (d, jnp.zeros((qb, k), jnp.int32), jnp.full((qb, 1), -1, jnp.int32)))
        out_ref[0] = idxs + pl.program_id(0) * nr

    return body


def _knn(query, ref, k, qcomp=None, rcomp=None, qb=64):
    b, nq, _ = query.shape
    nr = ref.shape[1]
    masked = qcomp is not None
    qc = qcomp.astype(jnp.float32) if masked else jnp.zeros((b, nq), jnp.float32)
    rc = rcomp.astype(jnp.float32) if masked else jnp.zeros((b, nr), jnp.float32)
    q4 = jnp.concatenate([query, qc[:, :, None]], axis=-1)
    r4 = jnp.concatenate([jnp.transpose(ref, (0, 2, 1)), rc[:, None, :]], axis=1)
    return pl.pallas_call(
        _knn_body(k, masked),
        grid=(b, nq // qb),
        in_specs=[
            pl.BlockSpec((1, qb, 4), lambda i, j: (i, j, 0)),
            pl.BlockSpec((1, 4, nr), lambda i, j: (i, 0, 0)),
        ],
        out_specs=pl.BlockSpec((1, qb, k), lambda i, j: (i, j, 0)),
        out_shape=jax.ShapeDtypeStruct((b, nq, k), jnp.int32),
    )(q4, r4)



def _sc_gather(table, gidx):
    r, d = table.shape
    m = gidx.shape[0]
    m_per_w = m // NW
    ch = min(128, m_per_w)
    n_chunks = m_per_w // ch
    mesh = plsc.VectorSubcoreMesh(core_axis_name="c", subcore_axis_name="s")

    @functools.partial(
        pl.kernel,
        mesh=mesh,
        out_type=jax.ShapeDtypeStruct((m, d), jnp.float32),
        scratch_types=[
            pltpu.VMEM((ch,), jnp.int32),
            pltpu.VMEM((ch, d), jnp.float32),
            pltpu.SemaphoreType.DMA,
        ],
    )
    def k(table_hbm, idx_hbm, out_hbm, idx_v, rows_v, sem):
        wid = lax.axis_index("s") * 2 + lax.axis_index("c")
        base = wid * m_per_w

        def chunk(i, carry):
            off = base + i * ch
            pltpu.sync_copy(idx_hbm.at[pl.ds(off, ch)], idx_v)
            pltpu.async_copy(table_hbm.at[idx_v], rows_v, sem).wait()
            pltpu.sync_copy(rows_v, out_hbm.at[pl.ds(off, ch)])
            return carry

        lax.fori_loop(0, n_chunks, chunk, 0)

    return k(table, gidx)



def _stage_a_body(xc_ref, ft_ref, w_ref, b_ref, out_ref):
    ft = ft_ref[0]
    nb = ft.shape[1]
    feats = jax.nn.relu(
        lax.dot_general(ft, w_ref[...], (((0,), (0,)), ((), ())),
                        preferred_element_type=jnp.float32)
        + b_ref[...][None, :]
    )
    pad = jnp.zeros((nb, 128 - 16 - C1), jnp.float32)
    out_ref[0] = jnp.concatenate([xc_ref[0], feats, pad], axis=1)


def _stage_a(xyzc, features, W1dT, b1d):
    nb = 2048
    return pl.pallas_call(
        _stage_a_body,
        grid=(B, N // nb),
        in_specs=[
            pl.BlockSpec((1, nb, 16), lambda i, j: (i, j, 0)),
            pl.BlockSpec((1, C_IN, nb), lambda i, j: (i, 0, j)),
            pl.BlockSpec((C_IN, C1), lambda i, j: (0, 0)),
            pl.BlockSpec((C1,), lambda i, j: (0,)),
        ],
        out_specs=pl.BlockSpec((1, nb, 128), lambda i, j: (i, j, 0)),
        out_shape=jax.ShapeDtypeStruct((B, N, 128), jnp.float32),
    )(xyzc, features, W1dT, b1d)


def _group_stage_body(qb, k, cg, dd, cv):

    def body(g_ref, q_ref, w_ref, b_ref, t_ref, c_ref):
        g = g_ref[0, 0]
        q = q_ref[0, 0]
        qe = jnp.broadcast_to(q[:, None, :], (qb, k, 128)).reshape(qb * k, 128)
        diff = g - qe
        act = jax.nn.relu(
            jnp.dot(diff, w_ref[...], preferred_element_type=jnp.float32)
            + b_ref[...][None, :]
        )
        w = act[:, :cg]
        val = jnp.concatenate([act[:, cg:cg + dd], g[:, 16:16 + cv]], axis=1)
        w3 = w.reshape(qb, k, cg)
        val3 = val.reshape(qb, k, cg)
        mx = jnp.max(w3, axis=1)
        e = jnp.exp(w3 - mx[:, None, :])
        s = jnp.sum(e, axis=1)
        gfea = jnp.sum(val3 * (e / s[:, None, :]), axis=1)
        pad = jnp.zeros((qb, 13), jnp.float32)
        pad2 = jnp.zeros((qb, 128 - 16 - cg), jnp.float32)
        t_ref[0, 0] = jnp.concatenate([q[:, 0:3], pad, gfea, pad2], axis=1)
        c_ref[0, 0] = mx

    return body


def _group_stage(grows, qrows, wcat, bcat, k, cg, dd, cv, qb=128):
    nq = NPOINT
    nblk = nq // qb
    g4 = grows.reshape(B, nblk, qb * k, 128)
    q4 = qrows.reshape(B, nblk, qb, 128)
    tab, cfea = pl.pallas_call(
        _group_stage_body(qb, k, cg, dd, cv),
        grid=(B, nblk),
        in_specs=[
            pl.BlockSpec((1, 1, qb * k, 128), lambda i, j: (i, j, 0, 0)),
            pl.BlockSpec((1, 1, qb, 128), lambda i, j: (i, j, 0, 0)),
            pl.BlockSpec((128, cg + dd), lambda i, j: (0, 0)),
            pl.BlockSpec((cg + dd,), lambda i, j: (0,)),
        ],
        out_specs=[
            pl.BlockSpec((1, 1, qb, 128), lambda i, j: (i, j, 0, 0)),
            pl.BlockSpec((1, 1, qb, cg), lambda i, j: (i, j, 0, 0)),
        ],
        out_shape=[
            jax.ShapeDtypeStruct((B, nblk, qb, 128), jnp.float32),
            jax.ShapeDtypeStruct((B, nblk, qb, cg), jnp.float32),
        ],
    )(g4, q4, wcat, bcat)
    return tab.reshape(B, nq, 128), cfea.reshape(B, nq, cg)


def _final_stage_body(qb, k):
    def body(g_ref, q_ref, wsp_ref, bsp_ref, c2_ref, t2_ref, c1_ref, q1_ref,
             wf_ref, bn_ref, out_ref):
        g = g_ref[0, 0]
        q = q_ref[0, 0]
        qe = jnp.broadcast_to(q[:, None, :], (qb, k, 128)).reshape(qb * k, 128)
        diff = g - qe
        act = jax.nn.relu(
            jnp.dot(diff, wsp_ref[...], preferred_element_type=jnp.float32)
            + bsp_ref[...][None, :]
        )
        local = jnp.max(act.reshape(qb, k, CP), axis=1)
        c2 = c2_ref[0, 0]
        gf2 = q[:, 16:112]
        gf1 = t2_ref[0, 0][:, 16:96]
        c1 = c1_ref[0, 0]
        ctr = q1_ref[0, 0][:, 16:80]
        fea = jnp.concatenate([c2, local, gf2, gf1, c1, ctr], axis=1)
        res = jax.nn.relu(
            jnp.dot(fea, wf_ref[...], preferred_element_type=jnp.float32)
            + bn_ref[...][None, :]
        )
        out_ref[0] = res.T

    return body


def _final_stage(grows4, table4, Wsp3pT, bsp3, c_fea2, table2, c_fea1, qrows1,
                 Wfin, bnew, qb=128):
    nblk = NPOINT // qb
    g4 = grows4.reshape(B, nblk, qb * K4, 128)
    return pl.pallas_call(
        _final_stage_body(qb, K4),
        grid=(B, nblk),
        in_specs=[
            pl.BlockSpec((1, 1, qb * K4, 128), lambda i, j: (i, j, 0, 0)),
            pl.BlockSpec((1, 1, qb, 128), lambda i, j: (i, j, 0, 0)),
            pl.BlockSpec((128, CP), lambda i, j: (0, 0)),
            pl.BlockSpec((CP,), lambda i, j: (0,)),
            pl.BlockSpec((1, 1, qb, 96), lambda i, j: (i, j, 0, 0)),
            pl.BlockSpec((1, 1, qb, 128), lambda i, j: (i, j, 0, 0)),
            pl.BlockSpec((1, 1, qb, 80), lambda i, j: (i, j, 0, 0)),
            pl.BlockSpec((1, 1, qb, 128), lambda i, j: (i, j, 0, 0)),
            pl.BlockSpec((480, C_OUT), lambda i, j: (0, 0)),
            pl.BlockSpec((C_OUT,), lambda i, j: (0,)),
        ],
        out_specs=pl.BlockSpec((1, C_OUT, qb), lambda i, j: (i, 0, j)),
        out_shape=jax.ShapeDtypeStruct((B, C_OUT, NPOINT), jnp.float32),
    )(
        g4,
        table4.reshape(B, nblk, qb, 128),
        Wsp3pT, bsp3,
        c_fea2.reshape(B, nblk, qb, 96),
        table2.reshape(B, nblk, qb, 128),
        c_fea1.reshape(B, nblk, qb, 80),
        qrows1.reshape(B, nblk, qb, 128),
        Wfin, bnew,
    )



def _pad_w(w, cols_xyz, cols_fea, width):
    o = w.shape[0]
    out = jnp.zeros((o, width), jnp.float32)
    out = out.at[:, 0:3].set(w[:, 0:3])
    out = out.at[:, 16:16 + cols_fea].set(w[:, 3:3 + cols_fea])
    return out


def kernel(xyz, features, comp, W1d, b1d, Wdx1, bdx1, Ww1, bw1, Wdx2, bdx2,
           Ww2, bw2, Ww3, bw3, Wsp3, bsp3, Wnew, bnew):
    xyz_sg = lax.stop_gradient(xyz)

    xyzc = jnp.concatenate(
        [xyz, comp.astype(jnp.float32)[:, :, None],
         jnp.zeros((B, N, 12), jnp.float32)], axis=-1)

    WcatB = jnp.concatenate(
        [_pad_w(Ww1, 3, C1, 128), _pad_w(Wdx1, 3, 0, 128)], axis=0).T
    bcatB = jnp.concatenate([bw1, bdx1])
    WcatC = jnp.concatenate(
        [_pad_w(Ww2, 3, CG1, 128), _pad_w(Wdx2, 3, 0, 128)], axis=0).T
    bcatC = jnp.concatenate([bw2, bdx2])
    Wsp3pT = _pad_w(Wsp3, 3, CW2, 128).T
    WnewT = Wnew.T
    Wfin = jnp.concatenate([
        WnewT[0:96] + WnewT[256:352],
        WnewT[96:160],
        WnewT[160:256],
        WnewT[352:432],
        WnewT[432:512],
        WnewT[512:576],
    ], axis=0)

    table1 = _stage_a(xyzc, features, W1d.T, b1d)
    table1f = table1.reshape(B * N, 128)

    cidx = _fps(xyz_sg, NPOINT)
    qrows1 = _sc_gather(table1f, cidx.reshape(-1)).reshape(B, NPOINT, 128)
    new_xyz = qrows1[:, :, 0:3]
    new_comp = qrows1[:, :, 3].astype(jnp.int32)

    idx1 = _knn(new_xyz, xyz_sg, K1)
    idx2 = _knn(new_xyz, new_xyz, K2, new_comp, new_comp)

    rows1 = _sc_gather(table1f, idx1.reshape(-1))
    table2, c_fea1 = _group_stage(
        rows1, qrows1, WcatB, bcatB, K1, CG1, D1, C1)

    gidx2 = idx2.reshape(-1)
    rows2 = _sc_gather(table2.reshape(B * NPOINT, 128), gidx2)
    table4, c_fea2 = _group_stage(
        rows2, table2, WcatC, bcatC, K2, CW2, D2, CG1)

    rows4 = _sc_gather(table4.reshape(B * NPOINT, 128), gidx2)
    new_features = _final_stage(rows4, table4, Wsp3pT, bsp3, c_fea2, table2,
                                c_fea1, qrows1, Wfin, bnew)
    return new_xyz, new_features, new_comp

# --- scband reference (transcript-rebuilt; emitter-appended) ---
"""Pipeline reference for scband-point-net2-samodule-base-89550068122184 (READ-ONLY COPY).

The authoritative reference and input builder live on the scoring server;
editing this copy changes nothing except your own understanding.
"""

import jax, jax.numpy as jnp
import numpy as np

B, N, NPOINT, SP_NUM = 2, 8192, 1024, 64
K1, K2, K3, K4 = 32, 16, 32, 16
C_IN, C1, D1, D2, CW2, CP, C_OUT = 32, 64, 16, 16, 96, 64, 128
CG1 = D1 + C1

def fps(xyz, npoint):
    def one(pts):
        n = pts.shape[0]
        def step(i, state):
            idxs, dists, far = state
            idxs = idxs.at[i].set(far)
            d = jnp.sum((pts - pts[far]) ** 2, axis=-1)
            dists = jnp.minimum(dists, d)
            far2 = jnp.argmax(dists).astype(jnp.int32)
            return (idxs, dists, far2)
        idxs0 = jnp.zeros((npoint,), jnp.int32)
        d0 = jnp.full((n,), 1e10, jnp.float32)
        idxs, _, _ = jax.lax.fori_loop(0, npoint, step, (idxs0, d0, jnp.int32(0)))
        return idxs
    return jax.vmap(one)(xyz)

def knn(query, ref, k, qcomp=None, rcomp=None):
    d = jnp.sum((query[:, :, None, :] - ref[:, None, :, :]) ** 2, axis=-1)
    if qcomp is not None:
        d = d + 1e9 * (qcomp[:, :, None] != rcomp[:, None, :]).astype(d.dtype)
    _, idx = jax.lax.top_k(-d, k)
    return idx

def gather_pts(pts, idx):
    return jax.vmap(lambda p, i: p[i])(pts, idx)

def gather_fea(fea, idx):
    return jax.vmap(lambda f, i: f[:, i])(fea, idx)

def group(ref_xyz, query_xyz, fea, idx):
    g_xyz = jax.vmap(lambda p, i: p[i])(ref_xyz, idx)
    d_xyz = jnp.transpose(g_xyz - query_xyz[:, :, None, :], (0, 3, 1, 2))
    o_fea = jax.vmap(lambda f, i: f[:, i])(fea, idx)
    return d_xyz, o_fea

def conv1d(x, W, b):
    return jax.nn.relu(jnp.einsum('oc,bcn->bon', W, x) + b[None, :, None])

def conv2d(x, W, b):
    return jax.nn.relu(jnp.einsum('oc,bcmk->bomk', W, x) + b[None, :, None, None])

def compute_indices(xyz, comp):
    xyz = jax.lax.stop_gradient(xyz)
    cidx = fps(xyz, NPOINT)
    new_xyz = gather_pts(xyz, cidx)
    new_comp = jax.vmap(lambda c, i: c[i])(comp, cidx)
    idx1 = knn(new_xyz, xyz, K1)
    idx2 = knn(new_xyz, new_xyz, K2, new_comp, new_comp)
    sp_idx = fps(new_xyz, SP_NUM)
    sp_xyz = gather_pts(new_xyz, sp_idx)
    sp_comp = jax.vmap(lambda c, i: c[i])(new_comp, sp_idx)
    idx3 = knn(sp_xyz, new_xyz, K3, sp_comp, new_comp)
    idx4 = knn(new_xyz, new_xyz, K4, new_comp, new_comp)
    return cidx, idx1, idx2, idx3, idx4, new_comp

def forward_core(xyz, features, params, idxs):
    (W1d, b1d, Wdx1, bdx1, Ww1, bw1, Wdx2, bdx2, Ww2, bw2, Ww3, bw3, Wsp3, bsp3, Wnew, bnew) = params
    cidx, idx1, idx2, idx3, idx4 = idxs
    new_xyz = gather_pts(xyz, cidx)
    feats = conv1d(features, W1d, b1d)
    center = gather_fea(feats, cidx)
    d_xyz1, o_fea1 = group(xyz, new_xyz, feats, idx1)
    w1 = jnp.concatenate([d_xyz1, o_fea1 - center[:, :, :, None]], axis=1)
    w1 = conv2d(w1, Ww1, bw1)
    c_fea1 = jnp.max(w1, axis=-1)
    w1 = jax.nn.softmax(w1, axis=-1)
    d1 = conv2d(d_xyz1, Wdx1, bdx1)
    g_fea1 = jnp.sum(jnp.concatenate([d1, o_fea1], axis=1) * w1, axis=-1)
    d_xyz2, o_fea2 = group(new_xyz, new_xyz, g_fea1, idx2)
    d_fea2 = jnp.concatenate([d_xyz2, o_fea2 - g_fea1[:, :, :, None]], axis=1)
    d2 = conv2d(d_xyz2, Wdx2, bdx2)
    w2 = conv2d(d_fea2, Ww2, bw2)
    c_fea2 = jnp.max(w2, axis=-1)
    w2 = jax.nn.softmax(w2, axis=-1)
    g_fea2 = jnp.sum(jnp.concatenate([d2, o_fea2], axis=1) * w2, axis=-1)
    sp_fea = jnp.max(jax.vmap(lambda f, i: f[:, i])(c_fea2, idx3), axis=-1)
    sp_fea_exp = jnp.broadcast_to(sp_fea[:, :, None, :], (B, CW2, NPOINT, SP_NUM))
    c_fea2_exp = jnp.broadcast_to(c_fea2[:, :, :, None], (B, CW2, NPOINT, SP_NUM))
    d_fea3 = sp_fea_exp - c_fea2_exp
    w3 = conv2d(d_fea3, Ww3, bw3)
    c_fea3 = jnp.max(w3, axis=-1)
    w3 = jax.nn.softmax(w3, axis=-1)
    g_fea3 = jnp.sum(c_fea2_exp * w3, axis=-1)
    d_xyz4, o_fea4 = group(new_xyz, new_xyz, g_fea2, idx4)
    d_fea4 = jnp.concatenate([d_xyz4, o_fea4 - g_fea2[:, :, :, None]], axis=1)
    local_point_fea = jnp.max(conv2d(d_fea4, Wsp3, bsp3), axis=-1)
    fea3 = jnp.concatenate([g_fea3, local_point_fea, g_fea2, c_fea2, g_fea1, c_fea1, center], axis=1)
    new_features = conv1d(fea3, Wnew, bnew)
    return new_xyz, new_features

def setup_inputs(seed: int = 0):
    key = jax.random.key(seed)
    ks = jax.random.split(key, 12)
    def w(k, o, c):
        return jax.random.normal(k, (o, c), jnp.float32) * 0.05
    return {
        'xyz': jax.random.uniform(ks[0], (B, N, 3), jnp.float32),
        'features': jax.random.normal(ks[1], (B, C_IN, N), jnp.float32),
        'comp': jax.random.randint(ks[2], (B, N), 0, 8, jnp.int32),
        'W1d': w(ks[3], C1, C_IN), 'b1d': jnp.zeros((C1,), jnp.float32),
        'Wdx1': w(ks[4], D1, 3), 'bdx1': jnp.zeros((D1,), jnp.float32),
        'Ww1': w(ks[5], CG1, 3 + C1), 'bw1': jnp.zeros((CG1,), jnp.float32),
        'Wdx2': w(ks[6], D2, 3), 'bdx2': jnp.zeros((D2,), jnp.float32),
        'Ww2': w(ks[7], CW2, 3 + CG1), 'bw2': jnp.zeros((CW2,), jnp.float32),
        'Ww3': w(ks[8], CW2, CW2), 'bw3': jnp.zeros((CW2,), jnp.float32),
        'Wsp3': w(ks[9], CP, 3 + CW2), 'bsp3': jnp.zeros((CP,), jnp.float32),
        'Wnew': w(ks[10], C_OUT, 3 * CW2 + CP + 2 * CG1 + C1), 'bnew': jnp.zeros((C_OUT,), jnp.float32),
    }

def reference(xyz, features, comp, W1d, b1d, Wdx1, bdx1, Ww1, bw1, Wdx2, bdx2, Ww2, bw2, Ww3, bw3, Wsp3, bsp3, Wnew, bnew):
    cidx, idx1, idx2, idx3, idx4, new_comp = compute_indices(xyz, comp)
    params = (W1d, b1d, Wdx1, bdx1, Ww1, bw1, Wdx2, bdx2, Ww2, bw2, Ww3, bw3, Wsp3, bsp3, Wnew, bnew)
    new_xyz, new_features = forward_core(xyz, features, params, (cidx, idx1, idx2, idx3, idx4))
    return new_xyz, new_features, new_comp

if __name__ == "__main__":
    import jax
    _d = setup_inputs()
    print(jax.jit(kernel)(*tuple(_d.values())))

</pallas_src>

<mosaic_0001>
#map = affine_map<(d0, d1) -> (0, 0)>
#map1 = affine_map<(d0, d1) -> (0)>
module attributes {stable_mosaic.version = 14 : i64} {
  func.func @k(%arg0: i32, %arg1: i32, %arg2: memref<2048x128xf32, #tpu.memory_space<hbm>>, %arg3: memref<32768xi32, #tpu.memory_space<hbm>>, %arg4: memref<32768x128xf32, #tpu.memory_space<hbm>>, %arg5: memref<128xi32, #tpu.memory_space<vmem>>, %arg6: memref<128x128xf32, #tpu.memory_space<vmem>>, %arg7: memref<!tpu.dma_semaphore, #tpu.memory_space<semaphore_mem>>) attributes {dimension_semantics = [#tpu.dimension_semantics<core_parallel>, #tpu.dimension_semantics<subcore_parallel>], iteration_bounds = array<i64: 2, 16>, scalar_prefetch = 0 : i64, scratch_operands = 3 : i64, tpu.core_type = #tpu.core_type<sc_vector_subcore>, window_params = [{transform_indices = #map}, {transform_indices = #map1}, {transform_indices = #map}]} {
    %mul3A = arith.constant 2 : i32
    %mul3A_0 = arith.muli %arg1, %mul3A : i32
    %add3A = arith.addi %mul3A_0, %arg0 : i32
    %mul3A_1 = arith.constant 1024 : i32
    %mul3A_2 = arith.muli %add3A, %mul3A_1 : i32
    %scan3A = arith.constant 0 : i32
    %scan3A_3 = arith.constant 0 : i32
    %scan3A_4 = arith.constant 8 : i32
    %scan3A_5 = arith.addi %scan3A_3, %scan3A_4 : i32
    %scan3A_6 = arith.constant 1 : i32
    scf.for %scan3A_8 = %scan3A_3 to %scan3A_5 step %scan3A_6  : i32 {
      %mul3A_9 = arith.constant 128 : i32
      %mul3A_10 = arith.muli %scan3A_8, %mul3A_9 : i32
      %add3A_11 = arith.addi %mul3A_2, %mul3A_10 : i32
      "tpu.region"() ({
        %run_scoped3A = tpu.sem_alloc : memref<!tpu.dma_semaphore, #tpu.memory_space<semaphore_mem>>
        %dma_start3A_16 = tpu.memref_slice %arg3[%add3A_11] : memref<32768xi32, #tpu.memory_space<hbm>> -> memref<128xi32, #tpu.memory_space<hbm>>
        %dma_start3A_17 = tpu.memref_slice %arg3[%add3A_11] : memref<32768xi32, #tpu.memory_space<hbm>> -> memref<128xi32, #tpu.memory_space<hbm>>
        tpu.enqueue_dma source(%dma_start3A_17 : memref<128xi32, #tpu.memory_space<hbm>>) target(%arg5 : memref<128xi32, #tpu.memory_space<vmem>>) target_semaphore(%run_scoped3A : memref<!tpu.dma_semaphore, #tpu.memory_space<semaphore_mem>>)
        %dma_wait3A_18 = tpu.memref_slice %arg3[%add3A_11] : memref<32768xi32, #tpu.memory_space<hbm>> -> memref<128xi32, #tpu.memory_space<hbm>>
        %dma_wait3A_19 = tpu.memref_slice %arg3[%add3A_11] : memref<32768xi32, #tpu.memory_space<hbm>> -> memref<128xi32, #tpu.memory_space<hbm>>
        tpu.wait_dma2 semaphore(%run_scoped3A : memref<!tpu.dma_semaphore, #tpu.memory_space<semaphore_mem>>) src(%dma_wait3A_19 : memref<128xi32, #tpu.memory_space<hbm>>) dst(%arg5 : memref<128xi32, #tpu.memory_space<vmem>>)
        tpu.yield
      }) : () -> ()
      %dma_start3A = arith.constant 0 : i32
      %dma_start3A_12 = arith.constant 0 : i32
      %dma_start3A_13 = tpu.memref_slice %arg2[%dma_start3A, %dma_start3A_12] : memref<2048x128xf32, #tpu.memory_space<hbm>> -> memref<2048x128xf32, #tpu.memory_space<hbm>>
      tpu.enqueue_indirect_dma source(%dma_start3A_13 : memref<2048x128xf32, #tpu.memory_space<hbm>>) target(%arg6 : memref<128x128xf32, #tpu.memory_space<vmem>>) offsets(%arg5 : memref<128xi32, #tpu.memory_space<vmem>>) semaphore(%arg7 : memref<!tpu.dma_semaphore, #tpu.memory_space<semaphore_mem>>)
      %dma_wait3A = arith.constant 0 : i32
      %dma_wait3A_14 = arith.constant 0 : i32
      %dma_wait3A_15 = tpu.memref_slice %arg2[%dma_wait3A, %dma_wait3A_14] : memref<2048x128xf32, #tpu.memory_space<hbm>> -> memref<2048x128xf32, #tpu.memory_space<hbm>>
      tpu.wait_indirect_dma semaphore(%arg7 : memref<!tpu.dma_semaphore, #tpu.memory_space<semaphore_mem>>) src(%dma_wait3A_15 : memref<2048x128xf32, #tpu.memory_space<hbm>>) dst(%arg6 : memref<128x128xf32, #tpu.memory_space<vmem>>)
      "tpu.region"() ({
        %run_scoped3A = tpu.sem_alloc : memref<!tpu.dma_semaphore, #tpu.memory_space<semaphore_mem>>
        %dma_start3A_16 = arith.constant 0 : i32
        %dma_start3A_17 = tpu.memref_slice %arg4[%add3A_11, %dma_start3A_16] : memref<32768x128xf32, #tpu.memory_space<hbm>> -> memref<128x128xf32, #tpu.memory_space<hbm>>
        %dma_start3A_18 = arith.constant 0 : i32
        %dma_start3A_19 = tpu.memref_slice %arg4[%add3A_11, %dma_start3A_18] : memref<32768x128xf32, #tpu.memory_space<hbm>> -> memref<128x128xf32, #tpu.memory_space<hbm>>
        tpu.enqueue_dma source(%arg6 : memref<128x128xf32, #tpu.memory_space<vmem>>) target(%dma_start3A_19 : memref<128x128xf32, #tpu.memory_space<hbm>>) target_semaphore(%run_scoped3A : memref<!tpu.dma_semaphore, #tpu.memory_space<semaphore_mem>>)
        %dma_wait3A_20 = arith.constant 0 : i32
        %dma_wait3A_21 = tpu.memref_slice %arg4[%add3A_11, %dma_wait3A_20] : memref<32768x128xf32, #tpu.memory_space<hbm>> -> memref<128x128xf32, #tpu.memory_space<hbm>>
        %dma_wait3A_22 = arith.constant 0 : i32
        %dma_wait3A_23 = tpu.memref_slice %arg4[%add3A_11, %dma_wait3A_22] : memref<32768x128xf32, #tpu.memory_space<hbm>> -> memref<128x128xf32, #tpu.memory_space<hbm>>
        tpu.wait_dma2 semaphore(%run_scoped3A : memref<!tpu.dma_semaphore, #tpu.memory_space<semaphore_mem>>) src(%arg6 : memref<128x128xf32, #tpu.memory_space<vmem>>) dst(%dma_wait3A_23 : memref<128x128xf32, #tpu.memory_space<hbm>>)
        tpu.yield
      }) : () -> ()
    }
    %scan3A_7 = arith.constant 8 : i32
    return
  }
}

#map = affine_map<(d0, d1) -> (0, 0)>
#map1 = affine_map<(d0, d1) -> (0)>
module attributes {stable_mosaic.version = 14 : i64} {
  func.func @k(%arg0: i32, %arg1: i32, %arg2: memref<16384x128xf32, #tpu.memory_space<hbm>>, %arg3: memref<2048xi32, #tpu.memory_space<hbm>>, %arg4: memref<2048x128xf32, #tpu.memory_space<hbm>>, %arg5: memref<64xi32, #tpu.memory_space<vmem>>, %arg6: memref<64x128xf32, #tpu.memory_space<vmem>>, %arg7: memref<!tpu.dma_semaphore, #tpu.memory_space<semaphore_mem>>) attributes {dimension_semantics = [#tpu.dimension_semantics<core_parallel>, #tpu.dimension_semantics<subcore_parallel>], iteration_bounds = array<i64: 2, 16>, scalar_prefetch = 0 : i64, scratch_operands = 3 : i64, tpu.core_type = #tpu.core_type<sc_vector_subcore>, window_params = [{transform_indices = #map}, {transform_indices = #map1}, {transform_indices = #map}]} {
    %mul3A = arith.constant 2 : i32
    %mul3A_0 = arith.muli %arg1, %mul3A : i32
    %add3A = arith.addi %mul3A_0, %arg0 : i32
    %mul3A_1 = arith.constant 64 : i32
    %mul3A_2 = arith.muli %add3A, %mul3A_1 : i32
    %scan3A = arith.constant 0 : i32
    %scan3A_3 = arith.constant 0 : i32
    %mul3A_4 = arith.constant 64 : i32
    %mul3A_5 = arith.muli %scan3A_3, %mul3A_4 : i32
    %add3A_6 = arith.addi %mul3A_2, %mul3A_5 : i32
    "tpu.region"() ({
      %run_scoped3A = tpu.sem_alloc : memref<!tpu.dma_semaphore, #tpu.memory_space<semaphore_mem>>
      %dma_start3A_12 = tpu.memref_slice %arg3[%add3A_6] : memref<2048xi32, #tpu.memory_space<hbm>> -> memref<64xi32, #tpu.memory_space<hbm>>
      %dma_start3A_13 = tpu.memref_slice %arg3[%add3A_6] : memref<2048xi32, #tpu.memory_space<hbm>> -> memref<64xi32, #tpu.memory_space<hbm>>
      tpu.enqueue_dma source(%dma_start3A_13 : memref<64xi32, #tpu.memory_space<hbm>>) target(%arg5 : memref<64xi32, #tpu.memory_space<vmem>>) target_semaphore(%run_scoped3A : memref<!tpu.dma_semaphore, #tpu.memory_space<semaphore_mem>>)
      %dma_wait3A_14 = tpu.memref_slice %arg3[%add3A_6] : memref<2048xi32, #tpu.memory_space<hbm>> -> memref<64xi32, #tpu.memory_space<hbm>>
      %dma_wait3A_15 = tpu.memref_slice %arg3[%add3A_6] : memref<2048xi32, #tpu.memory_space<hbm>> -> memref<64xi32, #tpu.memory_space<hbm>>
      tpu.wait_dma2 semaphore(%run_scoped3A : memref<!tpu.dma_semaphore, #tpu.memory_space<semaphore_mem>>) src(%dma_wait3A_15 : memref<64xi32, #tpu.memory_space<hbm>>) dst(%arg5 : memref<64xi32, #tpu.memory_space<vmem>>)
      tpu.yield
    }) : () -> ()
    %dma_start3A = arith.constant 0 : i32
    %dma_start3A_7 = arith.constant 0 : i32
    %dma_start3A_8 = tpu.memref_slice %arg2[%dma_start3A, %dma_start3A_7] : memref<16384x128xf32, #tpu.memory_space<hbm>> -> memref<16384x128xf32, #tpu.memory_space<hbm>>
    tpu.enqueue_indirect_dma source(%dma_start3A_8 : memref<16384x128xf32, #tpu.memory_space<hbm>>) target(%arg6 : memref<64x128xf32, #tpu.memory_space<vmem>>) offsets(%arg5 : memref<64xi32, #tpu.memory_space<vmem>>) semaphore(%arg7 : memref<!tpu.dma_semaphore, #tpu.memory_space<semaphore_mem>>)
    %dma_wait3A = arith.constant 0 : i32
    %dma_wait3A_9 = arith.constant 0 : i32
    %dma_wait3A_10 = tpu.memref_slice %arg2[%dma_wait3A, %dma_wait3A_9] : memref<16384x128xf32, #tpu.memory_space<hbm>> -> memref<16384x128xf32, #tpu.memory_space<hbm>>
    tpu.wait_indirect_dma semaphore(%arg7 : memref<!tpu.dma_semaphore, #tpu.memory_space<semaphore_mem>>) src(%dma_wait3A_10 : memref<16384x128xf32, #tpu.memory_space<hbm>>) dst(%arg6 : memref<64x128xf32, #tpu.memory_space<vmem>>)
    "tpu.region"() ({
      %run_scoped3A = tpu.sem_alloc : memref<!tpu.dma_semaphore, #tpu.memory_space<semaphore_mem>>
      %dma_start3A_12 = arith.constant 0 : i32
      %dma_start3A_13 = tpu.memref_slice %arg4[%add3A_6, %dma_start3A_12] : memref<2048x128xf32, #tpu.memory_space<hbm>> -> memref<64x128xf32, #tpu.memory_space<hbm>>
      %dma_start3A_14 = arith.constant 0 : i32
      %dma_start3A_15 = tpu.memref_slice %arg4[%add3A_6, %dma_start3A_14] : memref<2048x128xf32, #tpu.memory_space<hbm>> -> memref<64x128xf32, #tpu.memory_space<hbm>>
      tpu.enqueue_dma source(%arg6 : memref<64x128xf32, #tpu.memory_space<vmem>>) target(%dma_start3A_15 : memref<64x128xf32, #tpu.memory_space<hbm>>) target_semaphore(%run_scoped3A : memref<!tpu.dma_semaphore, #tpu.memory_space<semaphore_mem>>)
      %dma_wait3A_16 = arith.constant 0 : i32
      %dma_wait3A_17 = tpu.memref_slice %arg4[%add3A_6, %dma_wait3A_16] : memref<2048x128xf32, #tpu.memory_space<hbm>> -> memref<64x128xf32, #tpu.memory_space<hbm>>
      %dma_wait3A_18 = arith.constant 0 : i32
      %dma_wait3A_19 = tpu.memref_slice %arg4[%add3A_6, %dma_wait3A_18] : memref<2048x128xf32, #tpu.memory_space<hbm>> -> memref<64x128xf32, #tpu.memory_space<hbm>>
      tpu.wait_dma2 semaphore(%run_scoped3A : memref<!tpu.dma_semaphore, #tpu.memory_space<semaphore_mem>>) src(%arg6 : memref<64x128xf32, #tpu.memory_space<vmem>>) dst(%dma_wait3A_19 : memref<64x128xf32, #tpu.memory_space<hbm>>)
      tpu.yield
    }) : () -> ()
    %scan3A_11 = arith.constant 1 : i32
    return
  }
}

#map = affine_map<(d0, d1) -> (0, 0)>
#map1 = affine_map<(d0, d1) -> (0)>
module attributes {stable_mosaic.version = 14 : i64} {
  func.func @k(%arg0: i32, %arg1: i32, %arg2: memref<16384x128xf32, #tpu.memory_space<hbm>>, %arg3: memref<65536xi32, #tpu.memory_space<hbm>>, %arg4: memref<65536x128xf32, #tpu.memory_space<hbm>>, %arg5: memref<128xi32, #tpu.memory_space<vmem>>, %arg6: memref<128x128xf32, #tpu.memory_space<vmem>>, %arg7: memref<!tpu.dma_semaphore, #tpu.memory_space<semaphore_mem>>) attributes {dimension_semantics = [#tpu.dimension_semantics<core_parallel>, #tpu.dimension_semantics<subcore_parallel>], iteration_bounds = array<i64: 2, 16>, scalar_prefetch = 0 : i64, scratch_operands = 3 : i64, tpu.core_type = #tpu.core_type<sc_vector_subcore>, window_params = [{transform_indices = #map}, {transform_indices = #map1}, {transform_indices = #map}]} {
    %mul3A = arith.constant 2 : i32
    %mul3A_0 = arith.muli %arg1, %mul3A : i32
    %add3A = arith.addi %mul3A_0, %arg0 : i32
    %mul3A_1 = arith.constant 2048 : i32
    %mul3A_2 = arith.muli %add3A, %mul3A_1 : i32
    %scan3A = arith.constant 0 : i32
    %scan3A_3 = arith.constant 0 : i32
    %scan3A_4 = arith.constant 16 : i32
    %scan3A_5 = arith.addi %scan3A_3, %scan3A_4 : i32
    %scan3A_6 = arith.constant 1 : i32
    scf.for %scan3A_8 = %scan3A_3 to %scan3A_5 step %scan3A_6  : i32 {
      %mul3A_9 = arith.constant 128 : i32
      %mul3A_10 = arith.muli %scan3A_8, %mul3A_9 : i32
      %add3A_11 = arith.addi %mul3A_2, %mul3A_10 : i32
      "tpu.region"() ({
        %run_scoped3A = tpu.sem_alloc : memref<!tpu.dma_semaphore, #tpu.memory_space<semaphore_mem>>
        %dma_start3A_16 = tpu.memref_slice %arg3[%add3A_11] : memref<65536xi32, #tpu.memory_space<hbm>> -> memref<128xi32, #tpu.memory_space<hbm>>
        %dma_start3A_17 = tpu.memref_slice %arg3[%add3A_11] : memref<65536xi32, #tpu.memory_space<hbm>> -> memref<128xi32, #tpu.memory_space<hbm>>
        tpu.enqueue_dma source(%dma_start3A_17 : memref<128xi32, #tpu.memory_space<hbm>>) target(%arg5 : memref<128xi32, #tpu.memory_space<vmem>>) target_semaphore(%run_scoped3A : memref<!tpu.dma_semaphore, #tpu.memory_space<semaphore_mem>>)
        %dma_wait3A_18 = tpu.memref_slice %arg3[%add3A_11] : memref<65536xi32, #tpu.memory_space<hbm>> -> memref<128xi32, #tpu.memory_space<hbm>>
        %dma_wait3A_19 = tpu.memref_slice %arg3[%add3A_11] : memref<65536xi32, #tpu.memory_space<hbm>> -> memref<128xi32, #tpu.memory_space<hbm>>
        tpu.wait_dma2 semaphore(%run_scoped3A : memref<!tpu.dma_semaphore, #tpu.memory_space<semaphore_mem>>) src(%dma_wait3A_19 : memref<128xi32, #tpu.memory_space<hbm>>) dst(%arg5 : memref<128xi32, #tpu.memory_space<vmem>>)
        tpu.yield
      }) : () -> ()
      %dma_start3A = arith.constant 0 : i32
      %dma_start3A_12 = arith.constant 0 : i32
      %dma_start3A_13 = tpu.memref_slice %arg2[%dma_start3A, %dma_start3A_12] : memref<16384x128xf32, #tpu.memory_space<hbm>> -> memref<16384x128xf32, #tpu.memory_space<hbm>>
      tpu.enqueue_indirect_dma source(%dma_start3A_13 : memref<16384x128xf32, #tpu.memory_space<hbm>>) target(%arg6 : memref<128x128xf32, #tpu.memory_space<vmem>>) offsets(%arg5 : memref<128xi32, #tpu.memory_space<vmem>>) semaphore(%arg7 : memref<!tpu.dma_semaphore, #tpu.memory_space<semaphore_mem>>)
      %dma_wait3A = arith.constant 0 : i32
      %dma_wait3A_14 = arith.constant 0 : i32
      %dma_wait3A_15 = tpu.memref_slice %arg2[%dma_wait3A, %dma_wait3A_14] : memref<16384x128xf32, #tpu.memory_space<hbm>> -> memref<16384x128xf32, #tpu.memory_space<hbm>>
      tpu.wait_indirect_dma semaphore(%arg7 : memref<!tpu.dma_semaphore, #tpu.memory_space<semaphore_mem>>) src(%dma_wait3A_15 : memref<16384x128xf32, #tpu.memory_space<hbm>>) dst(%arg6 : memref<128x128xf32, #tpu.memory_space<vmem>>)
      "tpu.region"() ({
        %run_scoped3A = tpu.sem_alloc : memref<!tpu.dma_semaphore, #tpu.memory_space<semaphore_mem>>
        %dma_start3A_16 = arith.constant 0 : i32
        %dma_start3A_17 = tpu.memref_slice %arg4[%add3A_11, %dma_start3A_16] : memref<65536x128xf32, #tpu.memory_space<hbm>> -> memref<128x128xf32, #tpu.memory_space<hbm>>
        %dma_start3A_18 = arith.constant 0 : i32
        %dma_start3A_19 = tpu.memref_slice %arg4[%add3A_11, %dma_start3A_18] : memref<65536x128xf32, #tpu.memory_space<hbm>> -> memref<128x128xf32, #tpu.memory_space<hbm>>
        tpu.enqueue_dma source(%arg6 : memref<128x128xf32, #tpu.memory_space<vmem>>) target(%dma_start3A_19 : memref<128x128xf32, #tpu.memory_space<hbm>>) target_semaphore(%run_scoped3A : memref<!tpu.dma_semaphore, #tpu.memory_space<semaphore_mem>>)
        %dma_wait3A_20 = arith.constant 0 : i32
        %dma_wait3A_21 = tpu.memref_slice %arg4[%add3A_11, %dma_wait3A_20] : memref<65536x128xf32, #tpu.memory_space<hbm>> -> memref<128x128xf32, #tpu.memory_space<hbm>>
        %dma_wait3A_22 = arith.constant 0 : i32
        %dma_wait3A_23 = tpu.memref_slice %arg4[%add3A_11, %dma_wait3A_22] : memref<65536x128xf32, #tpu.memory_space<hbm>> -> memref<128x128xf32, #tpu.memory_space<hbm>>
        tpu.wait_dma2 semaphore(%run_scoped3A : memref<!tpu.dma_semaphore, #tpu.memory_space<semaphore_mem>>) src(%arg6 : memref<128x128xf32, #tpu.memory_space<vmem>>) dst(%dma_wait3A_23 : memref<128x128xf32, #tpu.memory_space<hbm>>)
        tpu.yield
      }) : () -> ()
    }
    %scan3A_7 = arith.constant 16 : i32
    return
  }
}

#map = affine_map<(d0, d1) -> (0, 0)>
#map1 = affine_map<(d0, d1) -> (0)>
module attributes {stable_mosaic.version = 14 : i64} {
  func.func @k(%arg0: i32, %arg1: i32, %arg2: memref<2048x128xf32, #tpu.memory_space<hbm>>, %arg3: memref<32768xi32, #tpu.memory_space<hbm>>, %arg4: memref<32768x128xf32, #tpu.memory_space<hbm>>, %arg5: memref<128xi32, #tpu.memory_space<vmem>>, %arg6: memref<128x128xf32, #tpu.memory_space<vmem>>, %arg7: memref<!tpu.dma_semaphore, #tpu.memory_space<semaphore_mem>>) attributes {dimension_semantics = [#tpu.dimension_semantics<core_parallel>, #tpu.dimension_semantics<subcore_parallel>], iteration_bounds = array<i64: 2, 16>, scalar_prefetch = 0 : i64, scratch_operands = 3 : i64, tpu.core_type = #tpu.core_type<sc_vector_subcore>, window_params = [{transform_indices = #map}, {transform_indices = #map1}, {transform_indices = #map}]} {
    %mul3A = arith.constant 2 : i32
    %mul3A_0 = arith.muli %arg1, %mul3A : i32
    %add3A = arith.addi %mul3A_0, %arg0 : i32
    %mul3A_1 = arith.constant 1024 : i32
    %mul3A_2 = arith.muli %add3A, %mul3A_1 : i32
    %scan3A = arith.constant 0 : i32
    %scan3A_3 = arith.constant 0 : i32
    %scan3A_4 = arith.constant 8 : i32
    %scan3A_5 = arith.addi %scan3A_3, %scan3A_4 : i32
    %scan3A_6 = arith.constant 1 : i32
    scf.for %scan3A_8 = %scan3A_3 to %scan3A_5 step %scan3A_6  : i32 {
      %mul3A_9 = arith.constant 128 : i32
      %mul3A_10 = arith.muli %scan3A_8, %mul3A_9 : i32
      %add3A_11 = arith.addi %mul3A_2, %mul3A_10 : i32
      "tpu.region"() ({
        %run_scoped3A = tpu.sem_alloc : memref<!tpu.dma_semaphore, #tpu.memory_space<semaphore_mem>>
        %dma_start3A_16 = tpu.memref_slice %arg3[%add3A_11] : memref<32768xi32, #tpu.memory_space<hbm>> -> memref<128xi32, #tpu.memory_space<hbm>>
        %dma_start3A_17 = tpu.memref_slice %arg3[%add3A_11] : memref<32768xi32, #tpu.memory_space<hbm>> -> memref<128xi32, #tpu.memory_space<hbm>>
        tpu.enqueue_dma source(%dma_start3A_17 : memref<128xi32, #tpu.memory_space<hbm>>) target(%arg5 : memref<128xi32, #tpu.memory_space<vmem>>) target_semaphore(%run_scoped3A : memref<!tpu.dma_semaphore, #tpu.memory_space<semaphore_mem>>)
        %dma_wait3A_18 = tpu.memref_slice %arg3[%add3A_11] : memref<32768xi32, #tpu.memory_space<hbm>> -> memref<128xi32, #tpu.memory_space<hbm>>
        %dma_wait3A_19 = tpu.memref_slice %arg3[%add3A_11] : memref<32768xi32, #tpu.memory_space<hbm>> -> memref<128xi32, #tpu.memory_space<hbm>>
        tpu.wait_dma2 semaphore(%run_scoped3A : memref<!tpu.dma_semaphore, #tpu.memory_space<semaphore_mem>>) src(%dma_wait3A_19 : memref<128xi32, #tpu.memory_space<hbm>>) dst(%arg5 : memref<128xi32, #tpu.memory_space<vmem>>)
        tpu.yield
      }) : () -> ()
      %dma_start3A = arith.constant 0 : i32
      %dma_start3A_12 = arith.constant 0 : i32
      %dma_start3A_13 = tpu.memref_slice %arg2[%dma_start3A, %dma_start3A_12] : memref<2048x128xf32, #tpu.memory_space<hbm>> -> memref<2048x128xf32, #tpu.memory_space<hbm>>
      tpu.enqueue_indirect_dma source(%dma_start3A_13 : memref<2048x128xf32, #tpu.memory_space<hbm>>) target(%arg6 : memref<128x128xf32, #tpu.memory_space<vmem>>) offsets(%arg5 : memref<128xi32, #tpu.memory_space<vmem>>) semaphore(%arg7 : memref<!tpu.dma_semaphore, #tpu.memory_space<semaphore_mem>>)
      %dma_wait3A = arith.constant 0 : i32
      %dma_wait3A_14 = arith.constant 0 : i32
      %dma_wait3A_15 = tpu.memref_slice %arg2[%dma_wait3A, %dma_wait3A_14] : memref<2048x128xf32, #tpu.memory_space<hbm>> -> memref<2048x128xf32, #tpu.memory_space<hbm>>
      tpu.wait_indirect_dma semaphore(%arg7 : memref<!tpu.dma_semaphore, #tpu.memory_space<semaphore_mem>>) src(%dma_wait3A_15 : memref<2048x128xf32, #tpu.memory_space<hbm>>) dst(%arg6 : memref<128x128xf32, #tpu.memory_space<vmem>>)
      "tpu.region"() ({
        %run_scoped3A = tpu.sem_alloc : memref<!tpu.dma_semaphore, #tpu.memory_space<semaphore_mem>>
        %dma_start3A_16 = arith.constant 0 : i32
        %dma_start3A_17 = tpu.memref_slice %arg4[%add3A_11, %dma_start3A_16] : memref<32768x128xf32, #tpu.memory_space<hbm>> -> memref<128x128xf32, #tpu.memory_space<hbm>>
        %dma_start3A_18 = arith.constant 0 : i32
        %dma_start3A_19 = tpu.memref_slice %arg4[%add3A_11, %dma_start3A_18] : memref<32768x128xf32, #tpu.memory_space<hbm>> -> memref<128x128xf32, #tpu.memory_space<hbm>>
        tpu.enqueue_dma source(%arg6 : memref<128x128xf32, #tpu.memory_space<vmem>>) target(%dma_start3A_19 : memref<128x128xf32, #tpu.memory_space<hbm>>) target_semaphore(%run_scoped3A : memref<!tpu.dma_semaphore, #tpu.memory_space<semaphore_mem>>)
        %dma_wait3A_20 = arith.constant 0 : i32
        %dma_wait3A_21 = tpu.memref_slice %arg4[%add3A_11, %dma_wait3A_20] : memref<32768x128xf32, #tpu.memory_space<hbm>> -> memref<128x128xf32, #tpu.memory_space<hbm>>
        %dma_wait3A_22 = arith.constant 0 : i32
        %dma_wait3A_23 = tpu.memref_slice %arg4[%add3A_11, %dma_wait3A_22] : memref<32768x128xf32, #tpu.memory_space<hbm>> -> memref<128x128xf32, #tpu.memory_space<hbm>>
        tpu.wait_dma2 semaphore(%run_scoped3A : memref<!tpu.dma_semaphore, #tpu.memory_space<semaphore_mem>>) src(%arg6 : memref<128x128xf32, #tpu.memory_space<vmem>>) dst(%dma_wait3A_23 : memref<128x128xf32, #tpu.memory_space<hbm>>)
        tpu.yield
      }) : () -> ()
    }
    %scan3A_7 = arith.constant 8 : i32
    return
  }
}

module attributes {stable_mosaic.version = 14 : i64} {
  func.func @body(%arg0: i32, %arg1: memref<2x3x8x1024xf32, #tpu.memory_space<vmem>>, %arg2: memref<2x8x128xi32, #tpu.memory_space<vmem>>) attributes {dimension_semantics = [#tpu.dimension_semantics<arbitrary>], iteration_bounds = array<i64: 1>, scalar_prefetch = 0 : i64, scratch_operands = 0 : i64, tpu.core_type = #tpu.core_type<tc>, window_params = [{pipeline_mode = #tpu.pipeline_mode<synchronous>, transform_indices = @transform_0, window_bounds = array<i64: 2, 3, 8, 1024>}, {pipeline_mode = #tpu.pipeline_mode<synchronous>, transform_indices = @transform_1, window_bounds = array<i64: 2, 8, 128>}]} {
    %get3A = arith.constant 0 : index
    %get3A_0 = arith.constant 0 : index
    %get3A_1 = arith.constant 0 : index
    %get3A_2 = arith.constant 0 : index
    %get3A_3 = vector.load %arg1[%get3A, %get3A_0, %get3A_1, %get3A_2] : memref<2x3x8x1024xf32, #tpu.memory_space<vmem>>, vector<2x3x8x1024xf32>
    %iota3A = tpu.iota {dimensions = array<i32: 0>} : vector<8x1024xi32>
    %mul3A = arith.constant 1024 : i32
    %mul3A_4 = vector.broadcast %mul3A : i32 to vector<8x1024xi32>
    %mul3A_5 = arith.muli %iota3A, %mul3A_4 : vector<8x1024xi32>
    %iota3A_6 = tpu.iota {dimensions = array<i32: 1>} : vector<8x1024xi32>
    %add3A = arith.addi %mul3A_5, %iota3A_6 : vector<8x1024xi32>
    %broadcast_in_dim3A = vector.shape_cast %add3A : vector<8x1024xi32> to vector<1x8x1024xi32>
    %iota3A_7 = tpu.iota {dimensions = array<i32: 0>} : vector<8x128xi32>
    %mul3A_8 = arith.constant 128 : i32
    %mul3A_9 = vector.broadcast %mul3A_8 : i32 to vector<8x128xi32>
    %mul3A_10 = arith.muli %iota3A_7, %mul3A_9 : vector<8x128xi32>
    %iota3A_11 = tpu.iota {dimensions = array<i32: 1>} : vector<8x128xi32>
    %add3A_12 = arith.addi %mul3A_10, %iota3A_11 : vector<8x128xi32>
    %broadcast_in_dim3A_13 = vector.shape_cast %add3A_12 : vector<8x128xi32> to vector<1x8x128xi32>
    %broadcast_in_dim3A_14 = arith.constant 0 : i32
    %broadcast_in_dim3A_15 = vector.broadcast %broadcast_in_dim3A_14 : i32 to vector<2x8x128xi32>
    %broadcast_in_dim3A_16 = arith.constant 1.000000e+10 : f32
    %broadcast_in_dim3A_17 = vector.broadcast %broadcast_in_dim3A_16 : f32 to vector<2x8x1024xf32>
    %broadcast_in_dim3A_18 = arith.constant 0 : i32
    %broadcast_in_dim3A_19 = vector.broadcast %broadcast_in_dim3A_18 : i32 to vector<2x1x1xi32>
    %scan3A = arith.constant 0 : i32
    %scan3A_20 = arith.constant 1024 : i32
    %scan3A_21 = arith.addi %scan3A, %scan3A_20 : i32
    %scan3A_22 = arith.constant 1 : i32
    %scan3A_23:3 = scf.for %scan3A_33 = %scan3A to %scan3A_21 step %scan3A_22 iter_args(%scan3A_34 = %broadcast_in_dim3A_15, %scan3A_35 = %broadcast_in_dim3A_17, %scan3A_36 = %broadcast_in_dim3A_19) -> (vector<2x8x128xi32>, vector<2x8x1024xf32>, vector<2x1x1xi32>)  : i32 {
      %eq3A = vector.broadcast %scan3A_33 : i32 to vector<1x8x128xi32>
      %eq3A_37 = arith.cmpi eq, %broadcast_in_dim3A_13, %eq3A : vector<1x8x128xi32>
      %broadcast_in_dim3A_38 = vector.shape_cast %eq3A_37 : vector<1x8x128xi1> to vector<1x8x128xi1>
      %broadcast_in_dim3A_39 = vector.broadcast %broadcast_in_dim3A_38 : vector<1x8x128xi1> to vector<2x8x128xi1>
      %broadcast_in_dim3A_40 = vector.shape_cast %scan3A_36 : vector<2x1x1xi32> to vector<2x1x1xi32>
      %broadcast_in_dim3A_41 = vector.broadcast %broadcast_in_dim3A_40 : vector<2x1x1xi32> to vector<2x8x128xi32>
      %select_n3A = arith.select %broadcast_in_dim3A_39, %broadcast_in_dim3A_41, %scan3A_34 : vector<2x8x128xi1>, vector<2x8x128xi32>
      %eq3A_42 = vector.broadcast %broadcast_in_dim3A : vector<1x8x1024xi32> to vector<2x8x1024xi32>
      %eq3A_43 = vector.broadcast %scan3A_36 : vector<2x1x1xi32> to vector<2x8x1024xi32>
      %eq3A_44 = arith.cmpi eq, %eq3A_42, %eq3A_43 : vector<2x8x1024xi32>
      %broadcast_in_dim3A_45 = vector.shape_cast %eq3A_44 : vector<2x8x1024xi1> to vector<2x1x8x1024xi1>
      %jit3A = arith.constant 0.000000e+00 : f32
      %broadcast_in_dim3A_46 = vector.shape_cast %broadcast_in_dim3A_45 : vector<2x1x8x1024xi1> to vector<2x1x8x1024xi1>
      %broadcast_in_dim3A_47 = vector.broadcast %broadcast_in_dim3A_46 : vector<2x1x8x1024xi1> to vector<2x3x8x1024xi1>
      %broadcast_in_dim3A_48 = vector.broadcast %jit3A : f32 to vector<2x3x8x1024xf32>
      %select_n3A_49 = arith.select %broadcast_in_dim3A_47, %get3A_3, %broadcast_in_dim3A_48 : vector<2x3x8x1024xi1>, vector<2x3x8x1024xf32>
      %reduce_sum3A = arith.constant dense<0.000000e+00> : vector<2x3xf32>
      %reduce_sum3A_50 = vector.multi_reduction <add>, %select_n3A_49, %reduce_sum3A [2, 3] : vector<2x3x8x1024xf32> to vector<2x3xf32>
      %broadcast_in_dim3A_51 = vector.shape_cast %reduce_sum3A_50 : vector<2x3xf32> to vector<2x3x1x1xf32>
      %slice3A = vector.extract_strided_slice %get3A_3 {offsets = [0, 0, 0, 0], sizes = [2, 1, 8, 1024], strides = [1, 1, 1, 1]} : vector<2x3x8x1024xf32> to vector<2x1x8x1024xf32>
      %squeeze3A = vector.shape_cast %slice3A : vector<2x1x8x1024xf32> to vector<2x8x1024xf32>
      %slice3A_52 = vector.extract_strided_slice %broadcast_in_dim3A_51 {offsets = [0, 0, 0, 0], sizes = [2, 1, 1, 1], strides = [1, 1, 1, 1]} : vector<2x3x1x1xf32> to vector<2x1x1x1xf32>
      %squeeze3A_53 = vector.shape_cast %slice3A_52 : vector<2x1x1x1xf32> to vector<2x1x1xf32>
      %sub3A = vector.broadcast %squeeze3A_53 : vector<2x1x1xf32> to vector<2x8x1024xf32>
      %sub3A_54 = arith.subf %squeeze3A, %sub3A : vector<2x8x1024xf32>
      %integer_pow3A = arith.mulf %sub3A_54, %sub3A_54 : vector<2x8x1024xf32>
      %slice3A_55 = vector.extract_strided_slice %get3A_3 {offsets = [0, 1, 0, 0], sizes = [2, 1, 8, 1024], strides = [1, 1, 1, 1]} : vector<2x3x8x1024xf32> to vector<2x1x8x1024xf32>
      %squeeze3A_56 = vector.shape_cast %slice3A_55 : vector<2x1x8x1024xf32> to vector<2x8x1024xf32>
      %slice3A_57 = vector.extract_strided_slice %broadcast_in_dim3A_51 {offsets = [0, 1, 0, 0], sizes = [2, 1, 1, 1], strides = [1, 1, 1, 1]} : vector<2x3x1x1xf32> to vector<2x1x1x1xf32>
      %squeeze3A_58 = vector.shape_cast %slice3A_57 : vector<2x1x1x1xf32> to vector<2x1x1xf32>
      %sub3A_59 = vector.broadcast %squeeze3A_58 : vector<2x1x1xf32> to vector<2x8x1024xf32>
      %sub3A_60 = arith.subf %squeeze3A_56, %sub3A_59 : vector<2x8x1024xf32>
      %integer_pow3A_61 = arith.mulf %sub3A_60, %sub3A_60 : vector<2x8x1024xf32>
      %add3A_62 = arith.addf %integer_pow3A, %integer_pow3A_61 : vector<2x8x1024xf32>
      %slice3A_63 = vector.extract_strided_slice %get3A_3 {offsets = [0, 2, 0, 0], sizes = [2, 1, 8, 1024], strides = [1, 1, 1, 1]} : vector<2x3x8x1024xf32> to vector<2x1x8x1024xf32>
      %squeeze3A_64 = vector.shape_cast %slice3A_63 : vector<2x1x8x1024xf32> to vector<2x8x1024xf32>
      %slice3A_65 = vector.extract_strided_slice %broadcast_in_dim3A_51 {offsets = [0, 2, 0, 0], sizes = [2, 1, 1, 1], strides = [1, 1, 1, 1]} : vector<2x3x1x1xf32> to vector<2x1x1x1xf32>
      %squeeze3A_66 = vector.shape_cast %slice3A_65 : vector<2x1x1x1xf32> to vector<2x1x1xf32>
      %sub3A_67 = vector.broadcast %squeeze3A_66 : vector<2x1x1xf32> to vector<2x8x1024xf32>
      %sub3A_68 = arith.subf %squeeze3A_64, %sub3A_67 : vector<2x8x1024xf32>
      %integer_pow3A_69 = arith.mulf %sub3A_68, %sub3A_68 : vector<2x8x1024xf32>
      %add3A_70 = arith.addf %add3A_62, %integer_pow3A_69 : vector<2x8x1024xf32>
      %min3A = arith.minimumf %scan3A_35, %add3A_70 : vector<2x8x1024xf32>
      %reshape3A = vector.shape_cast %min3A : vector<2x8x1024xf32> to vector<2x8192xf32>
      %argmax3A = tpu.reduce_index %reshape3A {axis = 1 : i32, kind = #tpu.reduction_kind<arg_max>} : vector<2x8192xf32> -> vector<2xi32>
      %broadcast_in_dim3A_71 = vector.shape_cast %argmax3A : vector<2xi32> to vector<2x1x1xi32>
      scf.yield %select_n3A, %min3A, %broadcast_in_dim3A_71 : vector<2x8x128xi32>, vector<2x8x1024xf32>, vector<2x1x1xi32>
    }
    %scan3A_24 = arith.constant 1024 : i32
    %iota3A_25 = tpu.iota {dimensions = array<i32: 0>} : vector<2x8x128xi32>
    %mul3A_26 = arith.constant 8192 : i32
    %mul3A_27 = vector.broadcast %mul3A_26 : i32 to vector<2x8x128xi32>
    %mul3A_28 = arith.muli %iota3A_25, %mul3A_27 : vector<2x8x128xi32>
    %add3A_29 = arith.addi %scan3A_23#0, %mul3A_28 : vector<2x8x128xi32>
    %swap3A = arith.constant 0 : index
    %swap3A_30 = arith.constant 0 : index
    %swap3A_31 = arith.constant 0 : index
    %swap3A_32 = vector.load %arg2[%swap3A, %swap3A_30, %swap3A_31] : memref<2x8x128xi32, #tpu.memory_space<vmem>>, vector<2x8x128xi32>
    tpu.vector_store %arg2[%swap3A, %swap3A_30, %swap3A_31], %add3A_29 {strides = array<i32>} : memref<2x8x128xi32, #tpu.memory_space<vmem>>, vector<2x8x128xi32>,
    return
  }
  func.func @transform_0(%arg0: i32) -> (i32, i32, i32, i32) {
    %c0_i32 = arith.constant 0 : i32
    %c0_i32_0 = arith.constant 0 : i32
    %c0_i32_1 = arith.constant 0 : i32
    %c0_i32_2 = arith.constant 0 : i32
    %c0_i32_3 = arith.constant 0 : i32
    return %c0_i32, %c0_i32_0, %c0_i32_1, %c0_i32_2 : i32, i32, i32, i32
  }
  func.func @transform_1(%arg0: i32) -> (i32, i32, i32) {
    %c0_i32 = arith.constant 0 : i32
    %c0_i32_0 = arith.constant 0 : i32
    %c0_i32_1 = arith.constant 0 : i32
    %c0_i32_2 = arith.constant 0 : i32
    return %c0_i32, %c0_i32_0, %c0_i32_1 : i32, i32, i32
  }
}

module attributes {stable_mosaic.version = 14 : i64} {
  func.func @_stage_a_body(%arg0: i32, %arg1: i32, %arg2: memref<1x2048x16xf32, #tpu.memory_space<vmem>>, %arg3: memref<1x32x2048xf32, #tpu.memory_space<vmem>>, %arg4: memref<32x64xf32, #tpu.memory_space<vmem>>, %arg5: memref<64xf32, #tpu.memory_space<vmem>>, %arg6: memref<1x2048x128xf32, #tpu.memory_space<vmem>>) attributes {dimension_semantics = [#tpu.dimension_semantics<arbitrary>, #tpu.dimension_semantics<arbitrary>], iteration_bounds = array<i64: 2, 4>, scalar_prefetch = 0 : i64, scratch_operands = 0 : i64, tpu.core_type = #tpu.core_type<tc>, window_params = [{transform_indices = @transform_0, window_bounds = array<i64: 1, 2048, 16>}, {transform_indices = @transform_1, window_bounds = array<i64: 1, 32, 2048>}, {pipeline_mode = #tpu.pipeline_mode<synchronous>, transform_indices = @transform_2, window_bounds = array<i64: 32, 64>}, {pipeline_mode = #tpu.pipeline_mode<synchronous>, transform_indices = @transform_3, window_bounds = array<i64: 64>}, {transform_indices = @transform_4, window_bounds = array<i64: 1, 2048, 128>}]} {
    %get3A = arith.constant 0 : index
    %get3A_0 = arith.constant 0 : index
    %get3A_1 = arith.constant 0 : index
    %get3A_2 = vector.load %arg3[%get3A, %get3A_0, %get3A_1] : memref<1x32x2048xf32, #tpu.memory_space<vmem>>, vector<1x32x2048xf32>
    %get3A_3 = vector.shape_cast %get3A_2 : vector<1x32x2048xf32> to vector<32x2048xf32>
    %get3A_4 = arith.constant 0 : index
    %get3A_5 = arith.constant 0 : index
    %get3A_6 = vector.load %arg4[%get3A_4, %get3A_5] : memref<32x64xf32, #tpu.memory_space<vmem>>, vector<32x64xf32>
    %dot_general3A = arith.constant dense<0.000000e+00> : vector<2048x64xf32>
    %dot_general3A_7 = tpu.matmul %get3A_3, %get3A_6, %dot_general3A {dimension_numbers = #tpu.dot_dimension_numbers<[0], [0], [1], [1], [0, 1, 1, 1], [], []>, transpose_lhs_hint = false} : vector<32x2048xf32>, vector<32x64xf32>, vector<2048x64xf32> -> vector<2048x64xf32>
    %get3A_8 = arith.constant 0 : index
    %get3A_9 = vector.load %arg5[%get3A_8] : memref<64xf32, #tpu.memory_space<vmem>>, vector<64xf32>
    %broadcast_in_dim3A = vector.shape_cast %get3A_9 : vector<64xf32> to vector<1x64xf32>
    %add3A = vector.broadcast %broadcast_in_dim3A : vector<1x64xf32> to vector<2048x64xf32>
    %add3A_10 = arith.addf %dot_general3A_7, %add3A : vector<2048x64xf32>
    %max3A = arith.constant 0.000000e+00 : f32
    %max3A_11 = vector.broadcast %max3A : f32 to vector<2048x64xf32>
    %max3A_12 = arith.maximumf %add3A_10, %max3A_11 : vector<2048x64xf32>
    %broadcast_in_dim3A_13 = arith.constant 0.000000e+00 : f32
    %broadcast_in_dim3A_14 = vector.broadcast %broadcast_in_dim3A_13 : f32 to vector<2048x48xf32>
    %get3A_15 = arith.constant 0 : index
    %get3A_16 = arith.constant 0 : index
    %get3A_17 = arith.constant 0 : index
    %get3A_18 = vector.load %arg2[%get3A_15, %get3A_16, %get3A_17] : memref<1x2048x16xf32, #tpu.memory_space<vmem>>, vector<1x2048x16xf32>
    %get3A_19 = vector.shape_cast %get3A_18 : vector<1x2048x16xf32> to vector<2048x16xf32>
    %concatenate3A = tpu.concatenate %get3A_19, %max3A_12, %broadcast_in_dim3A_14 in 1 : vector<2048x16xf32>, vector<2048x64xf32>, vector<2048x48xf32> -> vector<2048x128xf32>
    %swap3A = arith.constant 0 : index
    %swap3A_20 = arith.constant 0 : index
    %swap3A_21 = arith.constant 0 : index
    %swap3A_22 = vector.load %arg6[%swap3A, %swap3A_20, %swap3A_21] : memref<1x2048x128xf32, #tpu.memory_space<vmem>>, vector<1x2048x128xf32>
    %swap3A_23 = vector.shape_cast %swap3A_22 : vector<1x2048x128xf32> to vector<2048x128xf32>
    %swap3A_24 = vector.shape_cast %concatenate3A : vector<2048x128xf32> to vector<1x2048x128xf32>
    tpu.vector_store %arg6[%swap3A, %swap3A_20, %swap3A_21], %swap3A_24 {strides = array<i32>} : memref<1x2048x128xf32, #tpu.memory_space<vmem>>, vector<1x2048x128xf32>,
    return
  }
  func.func @transform_0(%arg0: i32, %arg1: i32) -> (i32, i32, i32) {
    %c0_i32 = arith.constant 0 : i32
    %c0_i32_0 = arith.constant 0 : i32
    return %arg0, %arg1, %c0_i32 : i32, i32, i32
  }
  func.func @transform_1(%arg0: i32, %arg1: i32) -> (i32, i32, i32) {
    %c0_i32 = arith.constant 0 : i32
    %c0_i32_0 = arith.constant 0 : i32
    return %arg0, %c0_i32, %arg1 : i32, i32, i32
  }
  func.func @transform_2(%arg0: i32, %arg1: i32) -> (i32, i32) {
    %c0_i32 = arith.constant 0 : i32
    %c0_i32_0 = arith.constant 0 : i32
    %c0_i32_1 = arith.constant 0 : i32
    return %c0_i32, %c0_i32_0 : i32, i32
  }
  func.func @transform_3(%arg0: i32, %arg1: i32) -> i32 {
    %c0_i32 = arith.constant 0 : i32
    %c0_i32_0 = arith.constant 0 : i32
    return %c0_i32 : i32
  }
  func.func @transform_4(%arg0: i32, %arg1: i32) -> (i32, i32, i32) {
    %c0_i32 = arith.constant 0 : i32
    %c0_i32_0 = arith.constant 0 : i32
    return %arg0, %arg1, %c0_i32 : i32, i32, i32
  }
}

module attributes {stable_mosaic.version = 14 : i64} {
  func.func @body(%arg0: i32, %arg1: i32, %arg2: memref<1x64x4xf32, #tpu.memory_space<vmem>>, %arg3: memref<1x4x8192xf32, #tpu.memory_space<vmem>>, %arg4: memref<1x64x32xi32, #tpu.memory_space<vmem>>) attributes {dimension_semantics = [#tpu.dimension_semantics<arbitrary>, #tpu.dimension_semantics<arbitrary>], iteration_bounds = array<i64: 2, 16>, scalar_prefetch = 0 : i64, scratch_operands = 0 : i64, tpu.core_type = #tpu.core_type<tc>, window_params = [{transform_indices = @transform_0, window_bounds = array<i64: 1, 64, 4>}, {transform_indices = @transform_1, window_bounds = array<i64: 1, 4, 8192>}, {transform_indices = @transform_2, window_bounds = array<i64: 1, 64, 32>}]} {
    %get3A = arith.constant 0 : index
    %get3A_0 = arith.constant 0 : index
    %get3A_1 = arith.constant 0 : index
    %get3A_2 = vector.load %arg2[%get3A, %get3A_0, %get3A_1] : memref<1x64x4xf32, #tpu.memory_space<vmem>>, vector<1x64x4xf32>
    %get3A_3 = vector.shape_cast %get3A_2 : vector<1x64x4xf32> to vector<64x4xf32>
    %get3A_4 = arith.constant 0 : index
    %get3A_5 = arith.constant 0 : index
    %get3A_6 = arith.constant 0 : index
    %get3A_7 = vector.load %arg3[%get3A_4, %get3A_5, %get3A_6] : memref<1x4x8192xf32, #tpu.memory_space<vmem>>, vector<1x1x8192xf32>
    %get3A_8 = vector.shape_cast %get3A_7 : vector<1x1x8192xf32> to vector<1x8192xf32>
    %get3A_9 = arith.constant 0 : index
    %get3A_10 = arith.constant 1 : index
    %get3A_11 = arith.constant 0 : index
    %get3A_12 = vector.load %arg3[%get3A_9, %get3A_10, %get3A_11] : memref<1x4x8192xf32, #tpu.memory_space<vmem>>, vector<1x1x8192xf32>
    %get3A_13 = vector.shape_cast %get3A_12 : vector<1x1x8192xf32> to vector<1x8192xf32>
    %get3A_14 = arith.constant 0 : index
    %get3A_15 = arith.constant 2 : index
    %get3A_16 = arith.constant 0 : index
    %get3A_17 = vector.load %arg3[%get3A_14, %get3A_15, %get3A_16] : memref<1x4x8192xf32, #tpu.memory_space<vmem>>, vector<1x1x8192xf32>
    %get3A_18 = vector.shape_cast %get3A_17 : vector<1x1x8192xf32> to vector<1x8192xf32>
    %slice3A = vector.extract_strided_slice %get3A_3 {offsets = [0, 0], sizes = [64, 1], strides = [1, 1]} : vector<64x4xf32> to vector<64x1xf32>
    %sub3A = vector.broadcast %slice3A : vector<64x1xf32> to vector<64x8192xf32>
    %sub3A_19 = vector.broadcast %get3A_8 : vector<1x8192xf32> to vector<64x8192xf32>
    %sub3A_20 = arith.subf %sub3A, %sub3A_19 : vector<64x8192xf32>
    %integer_pow3A = arith.mulf %sub3A_20, %sub3A_20 : vector<64x8192xf32>
    %slice3A_21 = vector.extract_strided_slice %get3A_3 {offsets = [0, 1], sizes = [64, 1], strides = [1, 1]} : vector<64x4xf32> to vector<64x1xf32>
    %sub3A_22 = vector.broadcast %slice3A_21 : vector<64x1xf32> to vector<64x8192xf32>
    %sub3A_23 = vector.broadcast %get3A_13 : vector<1x8192xf32> to vector<64x8192xf32>
    %sub3A_24 = arith.subf %sub3A_22, %sub3A_23 : vector<64x8192xf32>
    %integer_pow3A_25 = arith.mulf %sub3A_24, %sub3A_24 : vector<64x8192xf32>
    %add3A = arith.addf %integer_pow3A, %integer_pow3A_25 : vector<64x8192xf32>
    %slice3A_26 = vector.extract_strided_slice %get3A_3 {offsets = [0, 2], sizes = [64, 1], strides = [1, 1]} : vector<64x4xf32> to vector<64x1xf32>
    %sub3A_27 = vector.broadcast %slice3A_26 : vector<64x1xf32> to vector<64x8192xf32>
    %sub3A_28 = vector.broadcast %get3A_18 : vector<1x8192xf32> to vector<64x8192xf32>
    %sub3A_29 = arith.subf %sub3A_27, %sub3A_28 : vector<64x8192xf32>
    %integer_pow3A_30 = arith.mulf %sub3A_29, %sub3A_29 : vector<64x8192xf32>
    %add3A_31 = arith.addf %add3A, %integer_pow3A_30 : vector<64x8192xf32>
    %iota3A = tpu.iota {dimensions = array<i32: 1>} : vector<64x8192xi32>
    %iota3A_32 = tpu.iota {dimensions = array<i32: 1>} : vector<64x32xi32>
    %broadcast_in_dim3A = arith.constant 0 : i32
    %broadcast_in_dim3A_33 = vector.broadcast %broadcast_in_dim3A : i32 to vector<64x32xi32>
    %broadcast_in_dim3A_34 = arith.constant -1 : i32
    %broadcast_in_dim3A_35 = vector.broadcast %broadcast_in_dim3A_34 : i32 to vector<64x1xi32>
    %scan3A = arith.constant 0 : i32
    %scan3A_36 = arith.constant 32 : i32
    %scan3A_37 = arith.addi %scan3A, %scan3A_36 : i32
    %scan3A_38 = arith.constant 1 : i32
    %scan3A_39:3 = scf.for %scan3A_49 = %scan3A to %scan3A_37 step %scan3A_38 iter_args(%scan3A_50 = %add3A_31, %scan3A_51 = %broadcast_in_dim3A_33, %scan3A_52 = %broadcast_in_dim3A_35) -> (vector<64x8192xf32>, vector<64x32xi32>, vector<64x1xi32>)  : i32 {
      %eq3A = vector.broadcast %scan3A_52 : vector<64x1xi32> to vector<64x8192xi32>
      %eq3A_53 = arith.cmpi eq, %iota3A, %eq3A : vector<64x8192xi32>
      %jit3A = arith.constant 0x7F800000 : f32
      %broadcast_in_dim3A_54 = vector.broadcast %jit3A : f32 to vector<64x8192xf32>
      %select_n3A = arith.select %eq3A_53, %broadcast_in_dim3A_54, %scan3A_50 : vector<64x8192xi1>, vector<64x8192xf32>
      %argmin3A = tpu.reduce_index %select_n3A {axis = 1 : i32, kind = #tpu.reduction_kind<arg_min>} : vector<64x8192xf32> -> vector<64xi32>
      %broadcast_in_dim3A_55 = vector.shape_cast %argmin3A : vector<64xi32> to vector<64x1xi32>
      %eq3A_56 = vector.broadcast %scan3A_49 : i32 to vector<64x32xi32>
      %eq3A_57 = arith.cmpi eq, %iota3A_32, %eq3A_56 : vector<64x32xi32>
      %broadcast_in_dim3A_58 = vector.shape_cast %broadcast_in_dim3A_55 : vector<64x1xi32> to vector<64x1xi32>
      %broadcast_in_dim3A_59 = vector.broadcast %broadcast_in_dim3A_58 : vector<64x1xi32> to vector<64x32xi32>
      %select_n3A_60 = arith.select %eq3A_57, %broadcast_in_dim3A_59, %scan3A_51 : vector<64x32xi1>, vector<64x32xi32>
      scf.yield %select_n3A, %select_n3A_60, %broadcast_in_dim3A_55 : vector<64x8192xf32>, vector<64x32xi32>, vector<64x1xi32>
    }
    %scan3A_40 = arith.constant 32 : i32
    %mul3A = arith.constant 8192 : i32
    %mul3A_41 = arith.muli %arg0, %mul3A : i32
    %add3A_42 = vector.broadcast %mul3A_41 : i32 to vector<64x32xi32>
    %add3A_43 = arith.addi %scan3A_39#1, %add3A_42 : vector<64x32xi32>
    %swap3A = arith.constant 0 : index
    %swap3A_44 = arith.constant 0 : index
    %swap3A_45 = arith.constant 0 : index
    %swap3A_46 = vector.load %arg4[%swap3A, %swap3A_44, %swap3A_45] : memref<1x64x32xi32, #tpu.memory_space<vmem>>, vector<1x64x32xi32>
    %swap3A_47 = vector.shape_cast %swap3A_46 : vector<1x64x32xi32> to vector<64x32xi32>
    %swap3A_48 = vector.shape_cast %add3A_43 : vector<64x32xi32> to vector<1x64x32xi32>
    tpu.vector_store %arg4[%swap3A, %swap3A_44, %swap3A_45], %swap3A_48 {strides = array<i32>} : memref<1x64x32xi32, #tpu.memory_space<vmem>>, vector<1x64x32xi32>,
    return
  }
  func.func @transform_0(%arg0: i32, %arg1: i32) -> (i32, i32, i32) {
    %c0_i32 = arith.constant 0 : i32
    %c0_i32_0 = arith.constant 0 : i32
    return %arg0, %arg1, %c0_i32 : i32, i32, i32
  }
  func.func @transform_1(%arg0: i32, %arg1: i32) -> (i32, i32, i32) {
    %c0_i32 = arith.constant 0 : i32
    %c0_i32_0 = arith.constant 0 : i32
    %c0_i32_1 = arith.constant 0 : i32
    return %arg0, %c0_i32, %c0_i32_0 : i32, i32, i32
  }
  func.func @transform_2(%arg0: i32, %arg1: i32) -> (i32, i32, i32) {
    %c0_i32 = arith.constant 0 : i32
    %c0_i32_0 = arith.constant 0 : i32
    return %arg0, %arg1, %c0_i32 : i32, i32, i32
  }
}

module attributes {stable_mosaic.version = 14 : i64} {
  func.func @body(%arg0: i32, %arg1: i32, %arg2: memref<1x64x4xf32, #tpu.memory_space<vmem>>, %arg3: memref<1x4x1024xf32, #tpu.memory_space<vmem>>, %arg4: memref<1x64x16xi32, #tpu.memory_space<vmem>>) attributes {dimension_semantics = [#tpu.dimension_semantics<arbitrary>, #tpu.dimension_semantics<arbitrary>], iteration_bounds = array<i64: 2, 16>, scalar_prefetch = 0 : i64, scratch_operands = 0 : i64, tpu.core_type = #tpu.core_type<tc>, window_params = [{transform_indices = @transform_0, window_bounds = array<i64: 1, 64, 4>}, {transform_indices = @transform_1, window_bounds = array<i64: 1, 4, 1024>}, {transform_indices = @transform_2, window_bounds = array<i64: 1, 64, 16>}]} {
    %get3A = arith.constant 0 : index
    %get3A_0 = arith.constant 0 : index
    %get3A_1 = arith.constant 0 : index
    %get3A_2 = vector.load %arg2[%get3A, %get3A_0, %get3A_1] : memref<1x64x4xf32, #tpu.memory_space<vmem>>, vector<1x64x4xf32>
    %get3A_3 = vector.shape_cast %get3A_2 : vector<1x64x4xf32> to vector<64x4xf32>
    %get3A_4 = arith.constant 0 : index
    %get3A_5 = arith.constant 0 : index
    %get3A_6 = arith.constant 0 : index
    %get3A_7 = vector.load %arg3[%get3A_4, %get3A_5, %get3A_6] : memref<1x4x1024xf32, #tpu.memory_space<vmem>>, vector<1x1x1024xf32>
    %get3A_8 = vector.shape_cast %get3A_7 : vector<1x1x1024xf32> to vector<1x1024xf32>
    %get3A_9 = arith.constant 0 : index
    %get3A_10 = arith.constant 1 : index
    %get3A_11 = arith.constant 0 : index
    %get3A_12 = vector.load %arg3[%get3A_9, %get3A_10, %get3A_11] : memref<1x4x1024xf32, #tpu.memory_space<vmem>>, vector<1x1x1024xf32>
    %get3A_13 = vector.shape_cast %get3A_12 : vector<1x1x1024xf32> to vector<1x1024xf32>
    %get3A_14 = arith.constant 0 : index
    %get3A_15 = arith.constant 2 : index
    %get3A_16 = arith.constant 0 : index
    %get3A_17 = vector.load %arg3[%get3A_14, %get3A_15, %get3A_16] : memref<1x4x1024xf32, #tpu.memory_space<vmem>>, vector<1x1x1024xf32>
    %get3A_18 = vector.shape_cast %get3A_17 : vector<1x1x1024xf32> to vector<1x1024xf32>
    %slice3A = vector.extract_strided_slice %get3A_3 {offsets = [0, 0], sizes = [64, 1], strides = [1, 1]} : vector<64x4xf32> to vector<64x1xf32>
    %sub3A = vector.broadcast %slice3A : vector<64x1xf32> to vector<64x1024xf32>
    %sub3A_19 = vector.broadcast %get3A_8 : vector<1x1024xf32> to vector<64x1024xf32>
    %sub3A_20 = arith.subf %sub3A, %sub3A_19 : vector<64x1024xf32>
    %integer_pow3A = arith.mulf %sub3A_20, %sub3A_20 : vector<64x1024xf32>
    %slice3A_21 = vector.extract_strided_slice %get3A_3 {offsets = [0, 1], sizes = [64, 1], strides = [1, 1]} : vector<64x4xf32> to vector<64x1xf32>
    %sub3A_22 = vector.broadcast %slice3A_21 : vector<64x1xf32> to vector<64x1024xf32>
    %sub3A_23 = vector.broadcast %get3A_13 : vector<1x1024xf32> to vector<64x1024xf32>
    %sub3A_24 = arith.subf %sub3A_22, %sub3A_23 : vector<64x1024xf32>
    %integer_pow3A_25 = arith.mulf %sub3A_24, %sub3A_24 : vector<64x1024xf32>
    %add3A = arith.addf %integer_pow3A, %integer_pow3A_25 : vector<64x1024xf32>
    %slice3A_26 = vector.extract_strided_slice %get3A_3 {offsets = [0, 2], sizes = [64, 1], strides = [1, 1]} : vector<64x4xf32> to vector<64x1xf32>
    %sub3A_27 = vector.broadcast %slice3A_26 : vector<64x1xf32> to vector<64x1024xf32>
    %sub3A_28 = vector.broadcast %get3A_18 : vector<1x1024xf32> to vector<64x1024xf32>
    %sub3A_29 = arith.subf %sub3A_27, %sub3A_28 : vector<64x1024xf32>
    %integer_pow3A_30 = arith.mulf %sub3A_29, %sub3A_29 : vector<64x1024xf32>
    %add3A_31 = arith.addf %add3A, %integer_pow3A_30 : vector<64x1024xf32>
    %get3A_32 = arith.constant 0 : index
    %get3A_33 = arith.constant 3 : index
    %get3A_34 = arith.constant 0 : index
    %get3A_35 = vector.load %arg3[%get3A_32, %get3A_33, %get3A_34] : memref<1x4x1024xf32, #tpu.memory_space<vmem>>, vector<1x1x1024xf32>
    %get3A_36 = vector.shape_cast %get3A_35 : vector<1x1x1024xf32> to vector<1x1024xf32>
    %slice3A_37 = vector.extract_strided_slice %get3A_3 {offsets = [0, 3], sizes = [64, 1], strides = [1, 1]} : vector<64x4xf32> to vector<64x1xf32>
    %ne3A = vector.broadcast %slice3A_37 : vector<64x1xf32> to vector<64x1024xf32>
    %ne3A_38 = vector.broadcast %get3A_36 : vector<1x1024xf32> to vector<64x1024xf32>
    %ne3A_39 = arith.cmpf one, %ne3A, %ne3A_38 : vector<64x1024xf32>
    %convert_element_type3A = arith.extui %ne3A_39 : vector<64x1024xi1> to vector<64x1024xi32>
    %convert_element_type3A_40 = arith.sitofp %convert_element_type3A : vector<64x1024xi32> to vector<64x1024xf32>
    %mul3A = arith.constant 1.000000e+09 : f32
    %mul3A_41 = vector.broadcast %mul3A : f32 to vector<64x1024xf32>
    %mul3A_42 = arith.mulf %mul3A_41, %convert_element_type3A_40 : vector<64x1024xf32>
    %add3A_43 = arith.addf %add3A_31, %mul3A_42 : vector<64x1024xf32>
    %iota3A = tpu.iota {dimensions = array<i32: 1>} : vector<64x1024xi32>
    %iota3A_44 = tpu.iota {dimensions = array<i32: 1>} : vector<64x16xi32>
    %broadcast_in_dim3A = arith.constant 0 : i32
    %broadcast_in_dim3A_45 = vector.broadcast %broadcast_in_dim3A : i32 to vector<64x16xi32>
    %broadcast_in_dim3A_46 = arith.constant -1 : i32
    %broadcast_in_dim3A_47 = vector.broadcast %broadcast_in_dim3A_46 : i32 to vector<64x1xi32>
    %scan3A = arith.constant 0 : i32
    %scan3A_48 = arith.constant 16 : i32
    %scan3A_49 = arith.addi %scan3A, %scan3A_48 : i32
    %scan3A_50 = arith.constant 1 : i32
    %scan3A_51:3 = scf.for %scan3A_62 = %scan3A to %scan3A_49 step %scan3A_50 iter_args(%scan3A_63 = %add3A_43, %scan3A_64 = %broadcast_in_dim3A_45, %scan3A_65 = %broadcast_in_dim3A_47) -> (vector<64x1024xf32>, vector<64x16xi32>, vector<64x1xi32>)  : i32 {
      %eq3A = vector.broadcast %scan3A_65 : vector<64x1xi32> to vector<64x1024xi32>
      %eq3A_66 = arith.cmpi eq, %iota3A, %eq3A : vector<64x1024xi32>
      %jit3A = arith.constant 0x7F800000 : f32
      %broadcast_in_dim3A_67 = vector.broadcast %jit3A : f32 to vector<64x1024xf32>
      %select_n3A = arith.select %eq3A_66, %broadcast_in_dim3A_67, %scan3A_63 : vector<64x1024xi1>, vector<64x1024xf32>
      %argmin3A = tpu.reduce_index %select_n3A {axis = 1 : i32, kind = #tpu.reduction_kind<arg_min>} : vector<64x1024xf32> -> vector<64xi32>
      %broadcast_in_dim3A_68 = vector.shape_cast %argmin3A : vector<64xi32> to vector<64x1xi32>
      %eq3A_69 = vector.broadcast %scan3A_62 : i32 to vector<64x16xi32>
      %eq3A_70 = arith.cmpi eq, %iota3A_44, %eq3A_69 : vector<64x16xi32>
      %broadcast_in_dim3A_71 = vector.shape_cast %broadcast_in_dim3A_68 : vector<64x1xi32> to vector<64x1xi32>
      %broadcast_in_dim3A_72 = vector.broadcast %broadcast_in_dim3A_71 : vector<64x1xi32> to vector<64x16xi32>
      %select_n3A_73 = arith.select %eq3A_70, %broadcast_in_dim3A_72, %scan3A_64 : vector<64x16xi1>, vector<64x16xi32>
      scf.yield %select_n3A, %select_n3A_73, %broadcast_in_dim3A_68 : vector<64x1024xf32>, vector<64x16xi32>, vector<64x1xi32>
    }
    %scan3A_52 = arith.constant 16 : i32
    %mul3A_53 = arith.constant 1024 : i32
    %mul3A_54 = arith.muli %arg0, %mul3A_53 : i32
    %add3A_55 = vector.broadcast %mul3A_54 : i32 to vector<64x16xi32>
    %add3A_56 = arith.addi %scan3A_51#1, %add3A_55 : vector<64x16xi32>
    %swap3A = arith.constant 0 : index
    %swap3A_57 = arith.constant 0 : index
    %swap3A_58 = arith.constant 0 : index
    %swap3A_59 = vector.load %arg4[%swap3A, %swap3A_57, %swap3A_58] : memref<1x64x16xi32, #tpu.memory_space<vmem>>, vector<1x64x16xi32>
    %swap3A_60 = vector.shape_cast %swap3A_59 : vector<1x64x16xi32> to vector<64x16xi32>
    %swap3A_61 = vector.shape_cast %add3A_56 : vector<64x16xi32> to vector<1x64x16xi32>
    tpu.vector_store %arg4[%swap3A, %swap3A_57, %swap3A_58], %swap3A_61 {strides = array<i32>} : memref<1x64x16xi32, #tpu.memory_space<vmem>>, vector<1x64x16xi32>,
    return
  }
  func.func @transform_0(%arg0: i32, %arg1: i32) -> (i32, i32, i32) {
    %c0_i32 = arith.constant 0 : i32
    %c0_i32_0 = arith.constant 0 : i32
    return %arg0, %arg1, %c0_i32 : i32, i32, i32
  }
  func.func @transform_1(%arg0: i32, %arg1: i32) -> (i32, i32, i32) {
    %c0_i32 = arith.constant 0 : i32
    %c0_i32_0 = arith.constant 0 : i32
    %c0_i32_1 = arith.constant 0 : i32
    return %arg0, %c0_i32, %c0_i32_0 : i32, i32, i32
  }
  func.func @transform_2(%arg0: i32, %arg1: i32) -> (i32, i32, i32) {
    %c0_i32 = arith.constant 0 : i32
    %c0_i32_0 = arith.constant 0 : i32
    return %arg0, %arg1, %c0_i32 : i32, i32, i32
  }
}

module attributes {stable_mosaic.version = 14 : i64} {
  func.func @body(%arg0: i32, %arg1: i32, %arg2: memref<1x1x4096x128xf32, #tpu.memory_space<vmem>>, %arg3: memref<1x1x128x128xf32, #tpu.memory_space<vmem>>, %arg4: memref<128x96xf32, #tpu.memory_space<vmem>>, %arg5: memref<96xf32, #tpu.memory_space<vmem>>, %arg6: memref<1x1x128x128xf32, #tpu.memory_space<vmem>>, %arg7: memref<1x1x128x80xf32, #tpu.memory_space<vmem>>) attributes {dimension_semantics = [#tpu.dimension_semantics<arbitrary>, #tpu.dimension_semantics<arbitrary>], iteration_bounds = array<i64: 2, 8>, scalar_prefetch = 0 : i64, scratch_operands = 0 : i64, tpu.core_type = #tpu.core_type<tc>, window_params = [{transform_indices = @transform_0, window_bounds = array<i64: 1, 1, 4096, 128>}, {transform_indices = @transform_1, window_bounds = array<i64: 1, 1, 128, 128>}, {pipeline_mode = #tpu.pipeline_mode<synchronous>, transform_indices = @transform_2, window_bounds = array<i64: 128, 96>}, {pipeline_mode = #tpu.pipeline_mode<synchronous>, transform_indices = @transform_3, window_bounds = array<i64: 96>}, {transform_indices = @transform_4, window_bounds = array<i64: 1, 1, 128, 128>}, {transform_indices = @transform_5, window_bounds = array<i64: 1, 1, 128, 80>}]} {
    %get3A = arith.constant 0 : index
    %get3A_0 = arith.constant 0 : index
    %get3A_1 = arith.constant 0 : index
    %get3A_2 = arith.constant 0 : index
    %get3A_3 = vector.load %arg2[%get3A, %get3A_0, %get3A_1, %get3A_2] : memref<1x1x4096x128xf32, #tpu.memory_space<vmem>>, vector<1x1x4096x128xf32>
    %get3A_4 = vector.shape_cast %get3A_3 : vector<1x1x4096x128xf32> to vector<4096x128xf32>
    %get3A_5 = arith.constant 0 : index
    %get3A_6 = arith.constant 0 : index
    %get3A_7 = arith.constant 0 : index
    %get3A_8 = arith.constant 0 : index
    %get3A_9 = vector.load %arg3[%get3A_5, %get3A_6, %get3A_7, %get3A_8] : memref<1x1x128x128xf32, #tpu.memory_space<vmem>>, vector<1x1x128x128xf32>
    %get3A_10 = vector.shape_cast %get3A_9 : vector<1x1x128x128xf32> to vector<128x128xf32>
    %broadcast_in_dim3A = vector.shape_cast %get3A_10 : vector<128x128xf32> to vector<128x1x128xf32>
    %broadcast_in_dim3A_11 = vector.shape_cast %broadcast_in_dim3A : vector<128x1x128xf32> to vector<128x1x128xf32>
    %broadcast_in_dim3A_12 = vector.broadcast %broadcast_in_dim3A_11 : vector<128x1x128xf32> to vector<128x32x128xf32>
    %reshape3A = vector.shape_cast %broadcast_in_dim3A_12 : vector<128x32x128xf32> to vector<4096x128xf32>
    %sub3A = arith.subf %get3A_4, %reshape3A : vector<4096x128xf32>
    %get3A_13 = arith.constant 0 : index
    %get3A_14 = arith.constant 0 : index
    %get3A_15 = vector.load %arg4[%get3A_13, %get3A_14] : memref<128x96xf32, #tpu.memory_space<vmem>>, vector<128x96xf32>
    %dot_general3A = arith.constant dense<0.000000e+00> : vector<4096x96xf32>
    %dot_general3A_16 = tpu.matmul %sub3A, %get3A_15, %dot_general3A {dimension_numbers = #tpu.dot_dimension_numbers<[1], [0], [0], [1], [0, 0, 1, 1], [], []>, transpose_lhs_hint = false} : vector<4096x128xf32>, vector<128x96xf32>, vector<4096x96xf32> -> vector<4096x96xf32>
    %get3A_17 = arith.constant 0 : index
    %get3A_18 = vector.load %arg5[%get3A_17] : memref<96xf32, #tpu.memory_space<vmem>>, vector<96xf32>
    %broadcast_in_dim3A_19 = vector.shape_cast %get3A_18 : vector<96xf32> to vector<1x96xf32>
    %add3A = vector.broadcast %broadcast_in_dim3A_19 : vector<1x96xf32> to vector<4096x96xf32>
    %add3A_20 = arith.addf %dot_general3A_16, %add3A : vector<4096x96xf32>
    %max3A = arith.constant 0.000000e+00 : f32
    %max3A_21 = vector.broadcast %max3A : f32 to vector<4096x96xf32>
    %max3A_22 = arith.maximumf %add3A_20, %max3A_21 : vector<4096x96xf32>
    %slice3A = vector.extract_strided_slice %max3A_22 {offsets = [0, 0], sizes = [4096, 80], strides = [1, 1]} : vector<4096x96xf32> to vector<4096x80xf32>
    %slice3A_23 = vector.extract_strided_slice %max3A_22 {offsets = [0, 80], sizes = [4096, 16], strides = [1, 1]} : vector<4096x96xf32> to vector<4096x16xf32>
    %slice3A_24 = vector.extract_strided_slice %get3A_4 {offsets = [0, 16], sizes = [4096, 64], strides = [1, 1]} : vector<4096x128xf32> to vector<4096x64xf32>
    %concatenate3A = tpu.concatenate %slice3A_23, %slice3A_24 in 1 : vector<4096x16xf32>, vector<4096x64xf32> -> vector<4096x80xf32>
    %reshape3A_25 = vector.shape_cast %slice3A : vector<4096x80xf32> to vector<128x32x80xf32>
    %reshape3A_26 = vector.shape_cast %concatenate3A : vector<4096x80xf32> to vector<128x32x80xf32>
    %reduce_max3A = arith.constant dense<0xFF800000> : vector<128x80xf32>
    %reduce_max3A_27 = vector.multi_reduction <maximumf>, %reshape3A_25, %reduce_max3A [1] : vector<128x32x80xf32> to vector<128x80xf32>
    %broadcast_in_dim3A_28 = vector.shape_cast %reduce_max3A_27 : vector<128x80xf32> to vector<128x1x80xf32>
    %sub3A_29 = vector.broadcast %broadcast_in_dim3A_28 : vector<128x1x80xf32> to vector<128x32x80xf32>
    %sub3A_30 = arith.subf %reshape3A_25, %sub3A_29 : vector<128x32x80xf32>
    %exp3A = math.exp %sub3A_30 : vector<128x32x80xf32>
    %reduce_sum3A = arith.constant dense<0.000000e+00> : vector<128x80xf32>
    %reduce_sum3A_31 = vector.multi_reduction <add>, %exp3A, %reduce_sum3A [1] : vector<128x32x80xf32> to vector<128x80xf32>
    %broadcast_in_dim3A_32 = vector.shape_cast %reduce_sum3A_31 : vector<128x80xf32> to vector<128x1x80xf32>
    %div3A = vector.broadcast %broadcast_in_dim3A_32 : vector<128x1x80xf32> to vector<128x32x80xf32>
    %div3A_33 = arith.divf %exp3A, %div3A : vector<128x32x80xf32>
    %mul3A = arith.mulf %reshape3A_26, %div3A_33 : vector<128x32x80xf32>
    %reduce_sum3A_34 = arith.constant dense<0.000000e+00> : vector<128x80xf32>
    %reduce_sum3A_35 = vector.multi_reduction <add>, %mul3A, %reduce_sum3A_34 [1] : vector<128x32x80xf32> to vector<128x80xf32>
    %broadcast_in_dim3A_36 = arith.constant 0.000000e+00 : f32
    %broadcast_in_dim3A_37 = vector.broadcast %broadcast_in_dim3A_36 : f32 to vector<128x13xf32>
    %broadcast_in_dim3A_38 = arith.constant 0.000000e+00 : f32
    %broadcast_in_dim3A_39 = vector.broadcast %broadcast_in_dim3A_38 : f32 to vector<128x32xf32>
    %slice3A_40 = vector.extract_strided_slice %get3A_10 {offsets = [0, 0], sizes = [128, 3], strides = [1, 1]} : vector<128x128xf32> to vector<128x3xf32>
    %concatenate3A_41 = tpu.concatenate %slice3A_40, %broadcast_in_dim3A_37, %reduce_sum3A_35, %broadcast_in_dim3A_39 in 1 : vector<128x3xf32>, vector<128x13xf32>, vector<128x80xf32>, vector<128x32xf32> -> vector<128x128xf32>
    %swap3A = arith.constant 0 : index
    %swap3A_42 = arith.constant 0 : index
    %swap3A_43 = arith.constant 0 : index
    %swap3A_44 = arith.constant 0 : index
    %swap3A_45 = vector.load %arg6[%swap3A, %swap3A_42, %swap3A_43, %swap3A_44] : memref<1x1x128x128xf32, #tpu.memory_space<vmem>>, vector<1x1x128x128xf32>
    %swap3A_46 = vector.shape_cast %swap3A_45 : vector<1x1x128x128xf32> to vector<128x128xf32>
    %swap3A_47 = vector.shape_cast %concatenate3A_41 : vector<128x128xf32> to vector<1x1x128x128xf32>
    tpu.vector_store %arg6[%swap3A, %swap3A_42, %swap3A_43, %swap3A_44], %swap3A_47 {strides = array<i32>} : memref<1x1x128x128xf32, #tpu.memory_space<vmem>>, vector<1x1x128x128xf32>,
    %swap3A_48 = arith.constant 0 : index
    %swap3A_49 = arith.constant 0 : index
    %swap3A_50 = arith.constant 0 : index
    %swap3A_51 = arith.constant 0 : index
    %swap3A_52 = vector.load %arg7[%swap3A_48, %swap3A_49, %swap3A_50, %swap3A_51] : memref<1x1x128x80xf32, #tpu.memory_space<vmem>>, vector<1x1x128x80xf32>
    %swap3A_53 = vector.shape_cast %swap3A_52 : vector<1x1x128x80xf32> to vector<128x80xf32>
    %swap3A_54 = vector.shape_cast %reduce_max3A_27 : vector<128x80xf32> to vector<1x1x128x80xf32>
    tpu.vector_store %arg7[%swap3A_48, %swap3A_49, %swap3A_50, %swap3A_51], %swap3A_54 {strides = array<i32>} : memref<1x1x128x80xf32, #tpu.memory_space<vmem>>, vector<1x1x128x80xf32>,
    return
  }
  func.func @transform_0(%arg0: i32, %arg1: i32) -> (i32, i32, i32, i32) {
    %c0_i32 = arith.constant 0 : i32
    %c0_i32_0 = arith.constant 0 : i32
    %c0_i32_1 = arith.constant 0 : i32
    return %arg0, %arg1, %c0_i32, %c0_i32_0 : i32, i32, i32, i32
  }
  func.func @transform_1(%arg0: i32, %arg1: i32) -> (i32, i32, i32, i32) {
    %c0_i32 = arith.constant 0 : i32
    %c0_i32_0 = arith.constant 0 : i32
    %c0_i32_1 = arith.constant 0 : i32
    return %arg0, %arg1, %c0_i32, %c0_i32_0 : i32, i32, i32, i32
  }
  func.func @transform_2(%arg0: i32, %arg1: i32) -> (i32, i32) {
    %c0_i32 = arith.constant 0 : i32
    %c0_i32_0 = arith.constant 0 : i32
    %c0_i32_1 = arith.constant 0 : i32
    return %c0_i32, %c0_i32_0 : i32, i32
  }
  func.func @transform_3(%arg0: i32, %arg1: i32) -> i32 {
    %c0_i32 = arith.constant 0 : i32
    %c0_i32_0 = arith.constant 0 : i32
    return %c0_i32 : i32
  }
  func.func @transform_4(%arg0: i32, %arg1: i32) -> (i32, i32, i32, i32) {
    %c0_i32 = arith.constant 0 : i32
    %c0_i32_0 = arith.constant 0 : i32
    %c0_i32_1 = arith.constant 0 : i32
    return %arg0, %arg1, %c0_i32, %c0_i32_0 : i32, i32, i32, i32
  }
  func.func @transform_5(%arg0: i32, %arg1: i32) -> (i32, i32, i32, i32) {
    %c0_i32 = arith.constant 0 : i32
    %c0_i32_0 = arith.constant 0 : i32
    %c0_i32_1 = arith.constant 0 : i32
    return %arg0, %arg1, %c0_i32, %c0_i32_0 : i32, i32, i32, i32
  }
}

module attributes {stable_mosaic.version = 14 : i64} {
  func.func @body(%arg0: i32, %arg1: i32, %arg2: memref<1x1x2048x128xf32, #tpu.memory_space<vmem>>, %arg3: memref<1x1x128x128xf32, #tpu.memory_space<vmem>>, %arg4: memref<128x112xf32, #tpu.memory_space<vmem>>, %arg5: memref<112xf32, #tpu.memory_space<vmem>>, %arg6: memref<1x1x128x128xf32, #tpu.memory_space<vmem>>, %arg7: memref<1x1x128x96xf32, #tpu.memory_space<vmem>>) attributes {dimension_semantics = [#tpu.dimension_semantics<arbitrary>, #tpu.dimension_semantics<arbitrary>], iteration_bounds = array<i64: 2, 8>, scalar_prefetch = 0 : i64, scratch_operands = 0 : i64, tpu.core_type = #tpu.core_type<tc>, window_params = [{transform_indices = @transform_0, window_bounds = array<i64: 1, 1, 2048, 128>}, {transform_indices = @transform_1, window_bounds = array<i64: 1, 1, 128, 128>}, {pipeline_mode = #tpu.pipeline_mode<synchronous>, transform_indices = @transform_2, window_bounds = array<i64: 128, 112>}, {pipeline_mode = #tpu.pipeline_mode<synchronous>, transform_indices = @transform_3, window_bounds = array<i64: 112>}, {transform_indices = @transform_4, window_bounds = array<i64: 1, 1, 128, 128>}, {transform_indices = @transform_5, window_bounds = array<i64: 1, 1, 128, 96>}]} {
    %get3A = arith.constant 0 : index
    %get3A_0 = arith.constant 0 : index
    %get3A_1 = arith.constant 0 : index
    %get3A_2 = arith.constant 0 : index
    %get3A_3 = vector.load %arg2[%get3A, %get3A_0, %get3A_1, %get3A_2] : memref<1x1x2048x128xf32, #tpu.memory_space<vmem>>, vector<1x1x2048x128xf32>
    %get3A_4 = vector.shape_cast %get3A_3 : vector<1x1x2048x128xf32> to vector<2048x128xf32>
    %get3A_5 = arith.constant 0 : index
    %get3A_6 = arith.constant 0 : index
    %get3A_7 = arith.constant 0 : index
    %get3A_8 = arith.constant 0 : index
    %get3A_9 = vector.load %arg3[%get3A_5, %get3A_6, %get3A_7, %get3A_8] : memref<1x1x128x128xf32, #tpu.memory_space<vmem>>, vector<1x1x128x128xf32>
    %get3A_10 = vector.shape_cast %get3A_9 : vector<1x1x128x128xf32> to vector<128x128xf32>
    %broadcast_in_dim3A = vector.shape_cast %get3A_10 : vector<128x128xf32> to vector<128x1x128xf32>
    %broadcast_in_dim3A_11 = vector.shape_cast %broadcast_in_dim3A : vector<128x1x128xf32> to vector<128x1x128xf32>
    %broadcast_in_dim3A_12 = vector.broadcast %broadcast_in_dim3A_11 : vector<128x1x128xf32> to vector<128x16x128xf32>
    %reshape3A = vector.shape_cast %broadcast_in_dim3A_12 : vector<128x16x128xf32> to vector<2048x128xf32>
    %sub3A = arith.subf %get3A_4, %reshape3A : vector<2048x128xf32>
    %get3A_13 = arith.constant 0 : index
    %get3A_14 = arith.constant 0 : index
    %get3A_15 = vector.load %arg4[%get3A_13, %get3A_14] : memref<128x112xf32, #tpu.memory_space<vmem>>, vector<128x112xf32>
    %dot_general3A = arith.constant dense<0.000000e+00> : vector<2048x112xf32>
    %dot_general3A_16 = tpu.matmul %sub3A, %get3A_15, %dot_general3A {dimension_numbers = #tpu.dot_dimension_numbers<[1], [0], [0], [1], [0, 0, 1, 1], [], []>, transpose_lhs_hint = false} : vector<2048x128xf32>, vector<128x112xf32>, vector<2048x112xf32> -> vector<2048x112xf32>
    %get3A_17 = arith.constant 0 : index
    %get3A_18 = vector.load %arg5[%get3A_17] : memref<112xf32, #tpu.memory_space<vmem>>, vector<112xf32>
    %broadcast_in_dim3A_19 = vector.shape_cast %get3A_18 : vector<112xf32> to vector<1x112xf32>
    %add3A = vector.broadcast %broadcast_in_dim3A_19 : vector<1x112xf32> to vector<2048x112xf32>
    %add3A_20 = arith.addf %dot_general3A_16, %add3A : vector<2048x112xf32>
    %max3A = arith.constant 0.000000e+00 : f32
    %max3A_21 = vector.broadcast %max3A : f32 to vector<2048x112xf32>
    %max3A_22 = arith.maximumf %add3A_20, %max3A_21 : vector<2048x112xf32>
    %slice3A = vector.extract_strided_slice %max3A_22 {offsets = [0, 0], sizes = [2048, 96], strides = [1, 1]} : vector<2048x112xf32> to vector<2048x96xf32>
    %slice3A_23 = vector.extract_strided_slice %max3A_22 {offsets = [0, 96], sizes = [2048, 16], strides = [1, 1]} : vector<2048x112xf32> to vector<2048x16xf32>
    %slice3A_24 = vector.extract_strided_slice %get3A_4 {offsets = [0, 16], sizes = [2048, 80], strides = [1, 1]} : vector<2048x128xf32> to vector<2048x80xf32>
    %concatenate3A = tpu.concatenate %slice3A_23, %slice3A_24 in 1 : vector<2048x16xf32>, vector<2048x80xf32> -> vector<2048x96xf32>
    %reshape3A_25 = vector.shape_cast %slice3A : vector<2048x96xf32> to vector<128x16x96xf32>
    %reshape3A_26 = vector.shape_cast %concatenate3A : vector<2048x96xf32> to vector<128x16x96xf32>
    %reduce_max3A = arith.constant dense<0xFF800000> : vector<128x96xf32>
    %reduce_max3A_27 = vector.multi_reduction <maximumf>, %reshape3A_25, %reduce_max3A [1] : vector<128x16x96xf32> to vector<128x96xf32>
    %broadcast_in_dim3A_28 = vector.shape_cast %reduce_max3A_27 : vector<128x96xf32> to vector<128x1x96xf32>
    %sub3A_29 = vector.broadcast %broadcast_in_dim3A_28 : vector<128x1x96xf32> to vector<128x16x96xf32>
    %sub3A_30 = arith.subf %reshape3A_25, %sub3A_29 : vector<128x16x96xf32>
    %exp3A = math.exp %sub3A_30 : vector<128x16x96xf32>
    %reduce_sum3A = arith.constant dense<0.000000e+00> : vector<128x96xf32>
    %reduce_sum3A_31 = vector.multi_reduction <add>, %exp3A, %reduce_sum3A [1] : vector<128x16x96xf32> to vector<128x96xf32>
    %broadcast_in_dim3A_32 = vector.shape_cast %reduce_sum3A_31 : vector<128x96xf32> to vector<128x1x96xf32>
    %div3A = vector.broadcast %broadcast_in_dim3A_32 : vector<128x1x96xf32> to vector<128x16x96xf32>
    %div3A_33 = arith.divf %exp3A, %div3A : vector<128x16x96xf32>
    %mul3A = arith.mulf %reshape3A_26, %div3A_33 : vector<128x16x96xf32>
    %reduce_sum3A_34 = arith.constant dense<0.000000e+00> : vector<128x96xf32>
    %reduce_sum3A_35 = vector.multi_reduction <add>, %mul3A, %reduce_sum3A_34 [1] : vector<128x16x96xf32> to vector<128x96xf32>
    %broadcast_in_dim3A_36 = arith.constant 0.000000e+00 : f32
    %broadcast_in_dim3A_37 = vector.broadcast %broadcast_in_dim3A_36 : f32 to vector<128x13xf32>
    %broadcast_in_dim3A_38 = arith.constant 0.000000e+00 : f32
    %broadcast_in_dim3A_39 = vector.broadcast %broadcast_in_dim3A_38 : f32 to vector<128x16xf32>
    %slice3A_40 = vector.extract_strided_slice %get3A_10 {offsets = [0, 0], sizes = [128, 3], strides = [1, 1]} : vector<128x128xf32> to vector<128x3xf32>
    %concatenate3A_41 = tpu.concatenate %slice3A_40, %broadcast_in_dim3A_37, %reduce_sum3A_35, %broadcast_in_dim3A_39 in 1 : vector<128x3xf32>, vector<128x13xf32>, vector<128x96xf32>, vector<128x16xf32> -> vector<128x128xf32>
    %swap3A = arith.constant 0 : index
    %swap3A_42 = arith.constant 0 : index
    %swap3A_43 = arith.constant 0 : index
    %swap3A_44 = arith.constant 0 : index
    %swap3A_45 = vector.load %arg6[%swap3A, %swap3A_42, %swap3A_43, %swap3A_44] : memref<1x1x128x128xf32, #tpu.memory_space<vmem>>, vector<1x1x128x128xf32>
    %swap3A_46 = vector.shape_cast %swap3A_45 : vector<1x1x128x128xf32> to vector<128x128xf32>
    %swap3A_47 = vector.shape_cast %concatenate3A_41 : vector<128x128xf32> to vector<1x1x128x128xf32>
    tpu.vector_store %arg6[%swap3A, %swap3A_42, %swap3A_43, %swap3A_44], %swap3A_47 {strides = array<i32>} : memref<1x1x128x128xf32, #tpu.memory_space<vmem>>, vector<1x1x128x128xf32>,
    %swap3A_48 = arith.constant 0 : index
    %swap3A_49 = arith.constant 0 : index
    %swap3A_50 = arith.constant 0 : index
    %swap3A_51 = arith.constant 0 : index
    %swap3A_52 = vector.load %arg7[%swap3A_48, %swap3A_49, %swap3A_50, %swap3A_51] : memref<1x1x128x96xf32, #tpu.memory_space<vmem>>, vector<1x1x128x96xf32>
    %swap3A_53 = vector.shape_cast %swap3A_52 : vector<1x1x128x96xf32> to vector<128x96xf32>
    %swap3A_54 = vector.shape_cast %reduce_max3A_27 : vector<128x96xf32> to vector<1x1x128x96xf32>
    tpu.vector_store %arg7[%swap3A_48, %swap3A_49, %swap3A_50, %swap3A_51], %swap3A_54 {strides = array<i32>} : memref<1x1x128x96xf32, #tpu.memory_space<vmem>>, vector<1x1x128x96xf32>,
    return
  }
  func.func @transform_0(%arg0: i32, %arg1: i32) -> (i32, i32, i32, i32) {
    %c0_i32 = arith.constant 0 : i32
    %c0_i32_0 = arith.constant 0 : i32
    %c0_i32_1 = arith.constant 0 : i32
    return %arg0, %arg1, %c0_i32, %c0_i32_0 : i32, i32, i32, i32
  }
  func.func @transform_1(%arg0: i32, %arg1: i32) -> (i32, i32, i32, i32) {
    %c0_i32 = arith.constant 0 : i32
    %c0_i32_0 = arith.constant 0 : i32
    %c0_i32_1 = arith.constant 0 : i32
    return %arg0, %arg1, %c0_i32, %c0_i32_0 : i32, i32, i32, i32
  }
  func.func @transform_2(%arg0: i32, %arg1: i32) -> (i32, i32) {
    %c0_i32 = arith.constant 0 : i32
    %c0_i32_0 = arith.constant 0 : i32
    %c0_i32_1 = arith.constant 0 : i32
    return %c0_i32, %c0_i32_0 : i32, i32
  }
  func.func @transform_3(%arg0: i32, %arg1: i32) -> i32 {
    %c0_i32 = arith.constant 0 : i32
    %c0_i32_0 = arith.constant 0 : i32
    return %c0_i32 : i32
  }
  func.func @transform_4(%arg0: i32, %arg1: i32) -> (i32, i32, i32, i32) {
    %c0_i32 = arith.constant 0 : i32
    %c0_i32_0 = arith.constant 0 : i32
    %c0_i32_1 = arith.constant 0 : i32
    return %arg0, %arg1, %c0_i32, %c0_i32_0 : i32, i32, i32, i32
  }
  func.func @transform_5(%arg0: i32, %arg1: i32) -> (i32, i32, i32, i32) {
    %c0_i32 = arith.constant 0 : i32
    %c0_i32_0 = arith.constant 0 : i32
    %c0_i32_1 = arith.constant 0 : i32
    return %arg0, %arg1, %c0_i32, %c0_i32_0 : i32, i32, i32, i32
  }
}

module attributes {stable_mosaic.version = 14 : i64} {
  func.func @body(%arg0: i32, %arg1: i32, %arg2: memref<1x1x2048x128xf32, #tpu.memory_space<vmem>>, %arg3: memref<1x1x128x128xf32, #tpu.memory_space<vmem>>, %arg4: memref<128x64xf32, #tpu.memory_space<vmem>>, %arg5: memref<64xf32, #tpu.memory_space<vmem>>, %arg6: memref<1x1x128x96xf32, #tpu.memory_space<vmem>>, %arg7: memref<1x1x128x128xf32, #tpu.memory_space<vmem>>, %arg8: memref<1x1x128x80xf32, #tpu.memory_space<vmem>>, %arg9: memref<1x1x128x128xf32, #tpu.memory_space<vmem>>, %arg10: memref<480x128xf32, #tpu.memory_space<vmem>>, %arg11: memref<128xf32, #tpu.memory_space<vmem>>, %arg12: memref<1x128x128xf32, #tpu.memory_space<vmem>>) attributes {dimension_semantics = [#tpu.dimension_semantics<arbitrary>, #tpu.dimension_semantics<arbitrary>], iteration_bounds = array<i64: 2, 8>, scalar_prefetch = 0 : i64, scratch_operands = 0 : i64, tpu.core_type = #tpu.core_type<tc>, window_params = [{transform_indices = @transform_0, window_bounds = array<i64: 1, 1, 2048, 128>}, {transform_indices = @transform_1, window_bounds = array<i64: 1, 1, 128, 128>}, {pipeline_mode = #tpu.pipeline_mode<synchronous>, transform_indices = @transform_2, window_bounds = array<i64: 128, 64>}, {pipeline_mode = #tpu.pipeline_mode<synchronous>, transform_indices = @transform_3, window_bounds = array<i64: 64>}, {transform_indices = @transform_4, window_bounds = array<i64: 1, 1, 128, 96>}, {transform_indices = @transform_5, window_bounds = array<i64: 1, 1, 128, 128>}, {transform_indices = @transform_6, window_bounds = array<i64: 1, 1, 128, 80>}, {transform_indices = @transform_7, window_bounds = array<i64: 1, 1, 128, 128>}, {pipeline_mode = #tpu.pipeline_mode<synchronous>, transform_indices = @transform_8, window_bounds = array<i64: 480, 128>}, {pipeline_mode = #tpu.pipeline_mode<synchronous>, transform_indices = @transform_9, window_bounds = array<i64: 128>}, {transform_indices = @transform_10, window_bounds = array<i64: 1, 128, 128>}]} {
    %get3A = arith.constant 0 : index
    %get3A_0 = arith.constant 0 : index
    %get3A_1 = arith.constant 0 : index
    %get3A_2 = arith.constant 0 : index
    %get3A_3 = vector.load %arg2[%get3A, %get3A_0, %get3A_1, %get3A_2] : memref<1x1x2048x128xf32, #tpu.memory_space<vmem>>, vector<1x1x2048x128xf32>
    %get3A_4 = vector.shape_cast %get3A_3 : vector<1x1x2048x128xf32> to vector<2048x128xf32>
    %get3A_5 = arith.constant 0 : index
    %get3A_6 = arith.constant 0 : index
    %get3A_7 = arith.constant 0 : index
    %get3A_8 = arith.constant 0 : index
    %get3A_9 = vector.load %arg3[%get3A_5, %get3A_6, %get3A_7, %get3A_8] : memref<1x1x128x128xf32, #tpu.memory_space<vmem>>, vector<1x1x128x128xf32>
    %get3A_10 = vector.shape_cast %get3A_9 : vector<1x1x128x128xf32> to vector<128x128xf32>
    %broadcast_in_dim3A = vector.shape_cast %get3A_10 : vector<128x128xf32> to vector<128x1x128xf32>
    %broadcast_in_dim3A_11 = vector.shape_cast %broadcast_in_dim3A : vector<128x1x128xf32> to vector<128x1x128xf32>
    %broadcast_in_dim3A_12 = vector.broadcast %broadcast_in_dim3A_11 : vector<128x1x128xf32> to vector<128x16x128xf32>
    %reshape3A = vector.shape_cast %broadcast_in_dim3A_12 : vector<128x16x128xf32> to vector<2048x128xf32>
    %sub3A = arith.subf %get3A_4, %reshape3A : vector<2048x128xf32>
    %get3A_13 = arith.constant 0 : index
    %get3A_14 = arith.constant 0 : index
    %get3A_15 = vector.load %arg4[%get3A_13, %get3A_14] : memref<128x64xf32, #tpu.memory_space<vmem>>, vector<128x64xf32>
    %dot_general3A = arith.constant dense<0.000000e+00> : vector<2048x64xf32>
    %dot_general3A_16 = tpu.matmul %sub3A, %get3A_15, %dot_general3A {dimension_numbers = #tpu.dot_dimension_numbers<[1], [0], [0], [1], [0, 0, 1, 1], [], []>, transpose_lhs_hint = false} : vector<2048x128xf32>, vector<128x64xf32>, vector<2048x64xf32> -> vector<2048x64xf32>
    %get3A_17 = arith.constant 0 : index
    %get3A_18 = vector.load %arg5[%get3A_17] : memref<64xf32, #tpu.memory_space<vmem>>, vector<64xf32>
    %broadcast_in_dim3A_19 = vector.shape_cast %get3A_18 : vector<64xf32> to vector<1x64xf32>
    %add3A = vector.broadcast %broadcast_in_dim3A_19 : vector<1x64xf32> to vector<2048x64xf32>
    %add3A_20 = arith.addf %dot_general3A_16, %add3A : vector<2048x64xf32>
    %max3A = arith.constant 0.000000e+00 : f32
    %max3A_21 = vector.broadcast %max3A : f32 to vector<2048x64xf32>
    %max3A_22 = arith.maximumf %add3A_20, %max3A_21 : vector<2048x64xf32>
    %reshape3A_23 = vector.shape_cast %max3A_22 : vector<2048x64xf32> to vector<128x16x64xf32>
    %reduce_max3A = arith.constant dense<0xFF800000> : vector<128x64xf32>
    %reduce_max3A_24 = vector.multi_reduction <maximumf>, %reshape3A_23, %reduce_max3A [1] : vector<128x16x64xf32> to vector<128x64xf32>
    %get3A_25 = arith.constant 0 : index
    %get3A_26 = arith.constant 0 : index
    %get3A_27 = arith.constant 0 : index
    %get3A_28 = arith.constant 0 : index
    %get3A_29 = vector.load %arg6[%get3A_25, %get3A_26, %get3A_27, %get3A_28] : memref<1x1x128x96xf32, #tpu.memory_space<vmem>>, vector<1x1x128x96xf32>
    %get3A_30 = vector.shape_cast %get3A_29 : vector<1x1x128x96xf32> to vector<128x96xf32>
    %slice3A = vector.extract_strided_slice %get3A_10 {offsets = [0, 16], sizes = [128, 96], strides = [1, 1]} : vector<128x128xf32> to vector<128x96xf32>
    %get3A_31 = arith.constant 0 : index
    %get3A_32 = arith.constant 0 : index
    %get3A_33 = arith.constant 0 : index
    %get3A_34 = arith.constant 0 : index
    %get3A_35 = vector.load %arg7[%get3A_31, %get3A_32, %get3A_33, %get3A_34] : memref<1x1x128x128xf32, #tpu.memory_space<vmem>>, vector<1x1x128x128xf32>
    %get3A_36 = vector.shape_cast %get3A_35 : vector<1x1x128x128xf32> to vector<128x128xf32>
    %slice3A_37 = vector.extract_strided_slice %get3A_36 {offsets = [0, 16], sizes = [128, 80], strides = [1, 1]} : vector<128x128xf32> to vector<128x80xf32>
    %get3A_38 = arith.constant 0 : index
    %get3A_39 = arith.constant 0 : index
    %get3A_40 = arith.constant 0 : index
    %get3A_41 = arith.constant 0 : index
    %get3A_42 = vector.load %arg8[%get3A_38, %get3A_39, %get3A_40, %get3A_41] : memref<1x1x128x80xf32, #tpu.memory_space<vmem>>, vector<1x1x128x80xf32>
    %get3A_43 = vector.shape_cast %get3A_42 : vector<1x1x128x80xf32> to vector<128x80xf32>
    %get3A_44 = arith.constant 0 : index
    %get3A_45 = arith.constant 0 : index
    %get3A_46 = arith.constant 0 : index
    %get3A_47 = arith.constant 0 : index
    %get3A_48 = vector.load %arg9[%get3A_44, %get3A_45, %get3A_46, %get3A_47] : memref<1x1x128x128xf32, #tpu.memory_space<vmem>>, vector<1x1x128x128xf32>
    %get3A_49 = vector.shape_cast %get3A_48 : vector<1x1x128x128xf32> to vector<128x128xf32>
    %slice3A_50 = vector.extract_strided_slice %get3A_49 {offsets = [0, 16], sizes = [128, 64], strides = [1, 1]} : vector<128x128xf32> to vector<128x64xf32>
    %concatenate3A = tpu.concatenate %get3A_30, %reduce_max3A_24, %slice3A, %slice3A_37, %get3A_43, %slice3A_50 in 1 : vector<128x96xf32>, vector<128x64xf32>, vector<128x96xf32>, vector<128x80xf32>, vector<128x80xf32>, vector<128x64xf32> -> vector<128x480xf32>
    %get3A_51 = arith.constant 0 : index
    %get3A_52 = arith.constant 0 : index
    %get3A_53 = vector.load %arg10[%get3A_51, %get3A_52] : memref<480x128xf32, #tpu.memory_space<vmem>>, vector<480x128xf32>
    %dot_general3A_54 = arith.constant dense<0.000000e+00> : vector<128x128xf32>
    %dot_general3A_55 = tpu.matmul %concatenate3A, %get3A_53, %dot_general3A_54 {dimension_numbers = #tpu.dot_dimension_numbers<[1], [0], [0], [1], [0, 0, 1, 1], [], []>, transpose_lhs_hint = false} : vector<128x480xf32>, vector<480x128xf32>, vector<128x128xf32> -> vector<128x128xf32>
    %get3A_56 = arith.constant 0 : index
    %get3A_57 = vector.load %arg11[%get3A_56] : memref<128xf32, #tpu.memory_space<vmem>>, vector<128xf32>
    %broadcast_in_dim3A_58 = vector.shape_cast %get3A_57 : vector<128xf32> to vector<1x128xf32>
    %add3A_59 = vector.broadcast %broadcast_in_dim3A_58 : vector<1x128xf32> to vector<128x128xf32>
    %add3A_60 = arith.addf %dot_general3A_55, %add3A_59 : vector<128x128xf32>
    %max3A_61 = arith.constant 0.000000e+00 : f32
    %max3A_62 = vector.broadcast %max3A_61 : f32 to vector<128x128xf32>
    %max3A_63 = arith.maximumf %add3A_60, %max3A_62 : vector<128x128xf32>
    %transpose3A = tpu.transpose %max3A_63, [1, 0] : vector<128x128xf32> -> vector<128x128xf32>
    %swap3A = arith.constant 0 : index
    %swap3A_64 = arith.constant 0 : index
    %swap3A_65 = arith.constant 0 : index
    %swap3A_66 = vector.load %arg12[%swap3A, %swap3A_64, %swap3A_65] : memref<1x128x128xf32, #tpu.memory_space<vmem>>, vector<1x128x128xf32>
    %swap3A_67 = vector.shape_cast %swap3A_66 : vector<1x128x128xf32> to vector<128x128xf32>
    %swap3A_68 = vector.shape_cast %transpose3A : vector<128x128xf32> to vector<1x128x128xf32>
    tpu.vector_store %arg12[%swap3A, %swap3A_64, %swap3A_65], %swap3A_68 {strides = array<i32>} : memref<1x128x128xf32, #tpu.memory_space<vmem>>, vector<1x128x128xf32>,
    return
  }
  func.func @transform_0(%arg0: i32, %arg1: i32) -> (i32, i32, i32, i32) {
    %c0_i32 = arith.constant 0 : i32
    %c0_i32_0 = arith.constant 0 : i32
    %c0_i32_1 = arith.constant 0 : i32
    return %arg0, %arg1, %c0_i32, %c0_i32_0 : i32, i32, i32, i32
  }
  func.func @transform_1(%arg0: i32, %arg1: i32) -> (i32, i32, i32, i32) {
    %c0_i32 = arith.constant 0 : i32
    %c0_i32_0 = arith.constant 0 : i32
    %c0_i32_1 = arith.constant 0 : i32
    return %arg0, %arg1, %c0_i32, %c0_i32_0 : i32, i32, i32, i32
  }
  func.func @transform_2(%arg0: i32, %arg1: i32) -> (i32, i32) {
    %c0_i32 = arith.constant 0 : i32
    %c0_i32_0 = arith.constant 0 : i32
    %c0_i32_1 = arith.constant 0 : i32
    return %c0_i32, %c0_i32_0 : i32, i32
  }
  func.func @transform_3(%arg0: i32, %arg1: i32) -> i32 {
    %c0_i32 = arith.constant 0 : i32
    %c0_i32_0 = arith.constant 0 : i32
    return %c0_i32 : i32
  }
  func.func @transform_4(%arg0: i32, %arg1: i32) -> (i32, i32, i32, i32) {
    %c0_i32 = arith.constant 0 : i32
    %c0_i32_0 = arith.constant 0 : i32
    %c0_i32_1 = arith.constant 0 : i32
    return %arg0, %arg1, %c0_i32, %c0_i32_0 : i32, i32, i32, i32
  }
  func.func @transform_5(%arg0: i32, %arg1: i32) -> (i32, i32, i32, i32) {
    %c0_i32 = arith.constant 0 : i32
    %c0_i32_0 = arith.constant 0 : i32
    %c0_i32_1 = arith.constant 0 : i32
    return %arg0, %arg1, %c0_i32, %c0_i32_0 : i32, i32, i32, i32
  }
  func.func @transform_6(%arg0: i32, %arg1: i32) -> (i32, i32, i32, i32) {
    %c0_i32 = arith.constant 0 : i32
    %c0_i32_0 = arith.constant 0 : i32
    %c0_i32_1 = arith.constant 0 : i32
    return %arg0, %arg1, %c0_i32, %c0_i32_0 : i32, i32, i32, i32
  }
  func.func @transform_7(%arg0: i32, %arg1: i32) -> (i32, i32, i32, i32) {
    %c0_i32 = arith.constant 0 : i32
    %c0_i32_0 = arith.constant 0 : i32
    %c0_i32_1 = arith.constant 0 : i32
    return %arg0, %arg1, %c0_i32, %c0_i32_0 : i32, i32, i32, i32
  }
  func.func @transform_8(%arg0: i32, %arg1: i32) -> (i32, i32) {
    %c0_i32 = arith.constant 0 : i32
    %c0_i32_0 = arith.constant 0 : i32
    %c0_i32_1 = arith.constant 0 : i32
    return %c0_i32, %c0_i32_0 : i32, i32
  }
  func.func @transform_9(%arg0: i32, %arg1: i32) -> i32 {
    %c0_i32 = arith.constant 0 : i32
    %c0_i32_0 = arith.constant 0 : i32
    return %c0_i32 : i32
  }
  func.func @transform_10(%arg0: i32, %arg1: i32) -> (i32, i32, i32) {
    %c0_i32 = arith.constant 0 : i32
    %c0_i32_0 = arith.constant 0 : i32
    return %arg0, %c0_i32, %arg1 : i32, i32, i32
  }
}

</mosaic_0001>

<sc_bundles>
// kernel: kernel.13.cloned.1.call-start
scs
__scs_entry_jumppad:
0x0: {  	(pc) =	sbr.rel $0x88, $3  }
0x1: {  	(tag) =	ssettag $0x0;
	lr =	simm.s32 $0x1  }
0x2: {  	[smem:$0x3F90] =	sst lr;
	_ =	strace $0xD0000000  }
0x3: {  	_ = 	snop  }
0x4: {  	_ = 	snop  }
0x5: {  	_ = 	snop  }
0x6: {  	_ = 	snop  }
0x7: {  	_ = 	snop  }
__scs_overlays_trampoline_lowered:
0x8: {  	[smem:$0x3F9F] =	sst s0  }
0x9: {  	[smem:$0x3FA0] =	sst s1  }
0xa: {  	[smem:$0x3FA1] =	sst s2  }
0xb: {  	[smem:$0x3FA2] =	sst s3  }
0xc: {  	[smem:$0x3FA3] =	sst s4  }
0xd: {  	[smem:$0x3FA4] =	sst s5  }
0xe: {  	[smem:$0x3FA5] =	sst s6  }
0xf: {  	[smem:$0x3FA6] =	sst s7  }
0x10: {  	[smem:$0x3FA7] =	sst s8  }
0x11: {  	[smem:$0x3FA8] =	sst s9;
	s0 =	simm.s32 @!p0 $0x0  }
0x12: {  	s1 =	sld [smem:$0x3F8E];
	s0 =	simm.s32 @p0 $0x1  }
0x13: {  	[smem:$0x3FA9] =	sst s0;
	s0 =	simm.s32 @!p1 $0x0  }
0x14: {  	s2 =	sld [smem:$0x3F8D];
	s0 =	simm.s32 @p1 $0x1  }
0x15: {  	[smem:$0x3FAA] =	sst s0;
	s0 =	simm.s32 @!p2 $0x0  }
0x16: {  	s3 =	sld [smem:$0x3FDB];
	s0 =	simm.s32 @p2 $0x1  }
0x17: {  	s4 =	simm.s32 $0x1BF5;
	[smem:$0x3FAC] =	sst s0  }
0x18: {  	s0 =	sld [smem:$0x3F8F];
	_ =	swait.ge [sflag:s4], $0x0  }
0x19: {  	s7 =	sld [smem:$0x3F90]  }
0x1a: {  	s8 =	sadd.s32 $0xFFFFE003, lr  }
0x1b: {  	s9 =	sadd.s32 $0xFFFFFEF7, lr;
	s5 =	simm.s32 $0xFFFFFFFF;
	p2 =	slt.u32 s8, $0xFFFFF086  }
0x1c: {  	p1 =	slt.u32 s9, $0xF7A;
	s5 =	simm.s32 @!p2 $0x0  }
0x1d: {  	s5 =	simm.s32 @p1 $0x1;
	p0 =	seq.s32 s7, s2  }
0x1e: {  	s7 =	smul.u32 @!p0 $0xF7A, s2;
	p2 =	seq.s32 @!p0 s5, $0x0  }
0x1f: {  	s9 =	smul.u32 $0xF7A, s1;
	s8 =	simm.s32 @!p0 $0x1BF5;
	p2 =	por !p2, p0  }
0x20: {  	[sflag:s8] =	ssyncset.s32 @!p0 $0xFFFFF086;
	s6 =	sadd.s32 @!p0 s3, s7;
	s7 =	simm.s32 @!p0 $0x108  }
0x21: {  	s3 =	sadd.s32 s3, s9;
	s6 =	sadd.s32 @!p0 $0x88, s6;
	s7 =	simm.s32 @p2 $0x1082  }
0x22: {  	[simem:s7], [sflag:s8] =	dma.local @!p0 [hbm:s6], $0xF7A  }
0x23: {  	s9 =	sor.u32 $0xD0000000, s2;
	s6 =	simm.s32 $0x108;
	_ =	swait.ge @!p0 [sflag:s8], $0x0  }
0x24: {  	s3 =	sadd.s32 $0x88, s3;
	s6 =	simm.s32 @!p1 $0x1082;
	[sflag:s4] =	ssyncset.s32 $0xFFFFF086  }
0x25: {  	[simem:s6], [sflag:s4] =	dma.local [hbm:s3], $0xF7A  }
0x26: {  	[smem:$0x3F90] =	sst s1;
	(tag) =	ssettag s2;
	_ =	strace s9  }
0x27: {  	s1 =	sld [smem:$0x3FA0]  }
0x28: {  	s2 =	sld [smem:$0x3FA1]  }
0x29: {  	s4 =	sld [smem:$0x3FA3]  }
0x2a: {  	p0 =	seq.s32 s5, $0x0;
	s5 =	sld [smem:$0x3FA4]  }
0x2b: {  	s6 =	sld [smem:$0x3FA5]  }
0x2c: {  	s7 =	sld [smem:$0x3FA6]  }
0x2d: {  	s3 =	simm.s32 $0x108;
	s8 =	sld [smem:$0x3FA7]  }
0x2e: {  	s3 =	simm.s32 @!p0 $0x1082;
	s9 =	sld [smem:$0x3FA8]  }
0x2f: {  	lr =	sadd.s32 s0, s3;
	s0 =	sld [smem:$0x3F9F]  }
0x30: {  	s3 =	sld [smem:$0x3FA2]  }
0x31: {  	[smem:$0x3FAB] =	sst s10  }
0x32: {  	s10 =	sld [smem:$0x3FA9];
	_ =	sdelay $0x3  }
0x33: {  	p0 =	seq.s32 s10, $0x1;
	s10 =	sld [smem:$0x3FAB];
	_ =	sdelay $0x3  }
0x34: {  	[smem:$0x3FAB] =	sst s10  }
0x35: {  	s10 =	sld [smem:$0x3FAA];
	_ =	sdelay $0x3  }
0x36: {  	p1 =	seq.s32 s10, $0x1;
	s10 =	sld [smem:$0x3FAB];
	_ =	sdelay $0x3  }
0x37: {  	[smem:$0x3FAB] =	sst s10  }
0x38: {  	s10 =	sld [smem:$0x3FAC]  }
0x39: {  	_ = 	snop;
	(pc) =	sbr.ind lr, $3  }
0x3a: {  	_ = 	snop  }
0x3b: {  	_ = 	snop  }
0x3c: {  	p2 =	seq.s32 s10, $0x1;
	s10 =	sld [smem:$0x3FAB]  }
0x3d: {  	_ =	shalt  }
0x3e: {  	_ =	shalt  }
0x3f: {  	_ =	shalt  }
0x40: {  	_ =	shalt  }
0x41: {  	_ =	shalt  }
0x42: {  	_ =	shalt  }
0x43: {  	_ =	shalt  }
0x44: {  	_ =	shalt  }
0x45: {  	_ =	shalt  }
0x46: {  	_ =	shalt  }
0x47: {  	_ =	shalt  }
0x48: {  	_ =	shalt  }
0x49: {  	_ =	shalt  }
0x4a: {  	_ =	shalt  }
0x4b: {  	_ =	shalt  }
0x4c: {  	_ =	shalt  }
0x4d: {  	_ =	shalt  }
0x4e: {  	_ =	shalt  }
0x4f: {  	_ =	shalt  }
0x50: {  	_ =	shalt  }
0x51: {  	_ =	shalt  }
0x52: {  	_ =	shalt  }
0x53: {  	_ =	shalt  }
0x54: {  	_ =	shalt  }
0x55: {  	_ =	shalt  }
0x56: {  	_ =	shalt  }
0x57: {  	_ =	shalt  }
0x58: {  	_ =	shalt  }
0x59: {  	_ =	shalt  }
0x5a: {  	_ =	shalt  }
0x5b: {  	_ =	shalt  }
0x5c: {  	_ =	shalt  }
0x5d: {  	_ =	shalt  }
0x5e: {  	_ =	shalt  }
0x5f: {  	_ =	shalt  }
0x60: {  	_ =	shalt  }
0x61: {  	_ =	shalt  }
0x62: {  	_ =	shalt  }
0x63: {  	_ =	shalt  }
0x64: {  	_ =	shalt  }
0x65: {  	_ =	shalt  }
0x66: {  	_ =	shalt  }
0x67: {  	_ =	shalt  }
0x68: {  	_ =	shalt  }
0x69: {  	_ =	shalt  }
0x6a: {  	_ =	shalt  }
0x6b: {  	_ =	shalt  }
0x6c: {  	_ =	shalt  }
0x6d: {  	_ =	shalt  }
0x6e: {  	_ =	shalt  }
0x6f: {  	_ =	shalt  }
0x70: {  	_ =	shalt  }
0x71: {  	_ =	shalt  }
0x72: {  	_ =	shalt  }
0x73: {  	_ =	shalt  }
0x74: {  	_ =	shalt  }
0x75: {  	_ =	shalt  }
0x76: {  	_ =	shalt  }
0x77: {  	_ =	shalt  }
0x78: {  	_ =	shalt  }
0x79: {  	_ =	shalt  }
0x7a: {  	_ =	shalt  }
0x7b: {  	_ =	shalt  }
0x7c: {  	_ =	shalt  }
0x7d: {  	_ =	shalt  }
0x7e: {  	_ =	shalt  }
0x7f: {  	_ =	shalt  }
0x80: {  	_ =	shalt  }
0x81: {  	_ =	shalt  }
0x82: {  	_ =	shalt  }
0x83: {  	_ =	shalt  }
0x84: {  	_ =	shalt  }
0x85: {  	_ =	shalt  }
0x86: {  	_ =	shalt  }
0x87: {  	_ =	shalt  }
.Lfunc_end0:
.L_simem_size_0:
called_computation_lowered:
.L_overlay_start_0:
0x88: {  	s2 =	sld [smem:$0x3FD9]  }
0x89: {  	s3 =	sld [smem:$0x3FFE];
	_ =	sdelay $0x1  }
0x8a: {  	s1 =	srdreg.scid  }
0x8b: {  	s0 =	sand.u32 $0x1, s1  }
0x8c: {  	s14 =	sshll.u32 s0, $0xA;
	s2 =	sadd.s32 s3, s2  }
0x8d: {  	s2 =	sadd.s32 s2, s14  }
0x8e: {  	[smem:$0x3FB7] =	sst s2  }
0x8f: {  	_ = 	snop  }
0x90: {  	s2 =	sld [smem:$0x3FD0];
	_ =	sdelay $0x2  }
0x91: {  	s15 =	simm.s32 $0xA;
	s4 =	simm.s32 $0x10  }
0x92: {  	[smem:s4], [sflag:s15] =	dma.local [hbm:s2], $0x1  }
0x93: {  	_ =	swait.eq [sflag:s15], $0x1  }
0x94: {  	[sflag:s15] =	ssyncset.done $0x0  }
0x95: {  	s16 =	sld [smem:$0x11];
	[sflag:s15] =	ssyncadd.s32 $0xFFFFFFFF  }
0x96: {  	s17 =	sld [smem:$0x12];
	(tm) =	ssettm $0x1  }
0x97: {  	s18 =	sld [smem:$0x3FFB];
	_ =	sdelay $0x3  }
0x98: {  	_ =	strace s18  }
0x99: {  	s4 =	sld [smem:$0x3FFC];
	_ =	sdelay $0x3  }
0x9a: {  	_ =	strace s4  }
0x9b: {  	s4 =	sld [smem:$0x3FFD];
	_ =	sdelay $0x3  }
0x9c: {  	_ =	strace s4  }
0x9d: {  	_ =	strace $0x8FFFFFFF  }
0x9e: {  	s19 =	sld [smem:$0x3FDB];
	_ =	sdelay $0x1  }
0x9f: {  	s5 =	simm.s32 $_scs_section_size  }
0xa0: {  	s6 =	simm.s32 $_size__tile_overlayer_lowered;
	s7 =	simm.s32 $_tile_overlayer_lowered  }
0xa1: {  	s22 =	simm.s32 $0x1BFF;
	s21 =	sshll.u32 s7, $0x1;
	s4 =	sadd.s32 s5, s19  }
0xa2: {  	s8 =	simm.s32 $0x0;
	s20 =	sshll.u32 s6, $0x1;
	s6 =	sadd.s32 s21, s4  }
0xa3: {  	[timem:s8], [sflag:s22] =	dma.local [hbm:s6], s20  }
0xa4: {  	_ =	swait.ge [sflag:s22], s20  }
0xa5: {  	s5 =	ssub.s32 $0x0, s20;
	[sflag:s22] =	ssyncset.done $0x0  }
0xa6: {  	[sflag:s22] =	ssyncadd.s32 s5;
	_ =	sdelay $0x1  }
0xa7: {  	s23 =	simm.s32 $0x1B8B  }
0xa8: {  	_ =	swait.ge [sflag:s23], $0x1  }
0xa9: {  	[sflag:s23] =	ssyncset.done $0x0  }
0xaa: {  	s25 =	simm.s32 $0x1B8E;
	s24 =	sld [smem:$0x3FFE];
	[sflag:s23] =	ssyncadd.s32 $0xFFFFFFFF  }
0xab: {  	s26 =	simm.s32 $execute0_lowered;
	[smem:$0x3FD2] =	sst s25  }
0xac: {  	s6 =	sshll.u32 s26, $0x1;
	_ =	strace $0x80000046;
	[dreg:$0x1] =	wrdreg $0xFFFFFFFF  }
0xad: {  	s28 =	simm.s32 $_size_execute0_lowered;
	s4 =	sadd.s32 s4, s6;
	[dreg:$0x0] =	wrdreg $0x0  }
0xae: {  	s6 =	sshll.u32 s28, $0x1;
	[dreg:$0x2] =	wrdreg s4  }
0xaf: {  	[dreg:$0x3] =	wrdreg s6  }
0xb0: {  	[dreg:$0x4] =	wrdreg $0xC0  }
0xb1: {  	_ =	task [dreg:s8], $0x5FFFF  }
0xb2: {  	[dreg:$0x1] =	wrdreg $0xFFFFFFFF  }
0xb3: {  	[dreg:$0x0] =	wrdreg $0x60  }
0xb4: {  	[dreg:$0x2] =	wrdreg s24  }
0xb5: {  	[dreg:$0x3] =	wrdreg s17  }
0xb6: {  	[dreg:$0x4] =	wrdreg s16  }
0xb7: {  	[dreg:$0x5] =	wrdreg $0x9  }
0xb8: {  	_ =	task.clear_ibuf [dreg:s8], $0x6FFFF;
	_ =	strace $0x90000046  }
0xb9: {  	s29 =	simm.s32 $0x9;
	_ =	strace $0x80000048  }
0xba: {  	_ =	swait.ge [sflag:s29], $0x1  }
0xbb: {  	[sflag:s29] =	ssyncadd.s32 $0xFFFFFFFF  }
0xbc: {  	_ =	strace $0x90000048  }
0xbd: {  	_ =	sfence  }
0xbe: {  	s30 =	sld [smem:$0x0];
	_ =	sdelay $0x2  }
0xbf: {  	s31 =	sshll.u32 s1, $0xD;
	s1 =	sshrl.u32 s1, $0x2  }
0xc0: {  	s3 =	sand.u32 $0x4000, s31;
	s1 =	sadd.s32 s1, s30  }
0xc1: {  	s0 =	sor.u32 s3, s0;
	s1 =	sshll.u32 s1, $0x11  }
0xc2: {  	s0 =	sor.u32 s1, s0  }
0xc3: {  	s0 =	sadd.s32 $0x8F2B, s0  }
0xc4: {  	[sflag:s0] =	ssyncadd.remote.s32 $0x1  }
0xc5: {  	_ =	sfence.sel $0xFFFF  }
0xc6: {  	[dreg:$0x0] =	wrdreg $0xFFFFFFFF;
	(pc) =	sbr.abs _section_cstart, $3  }
0xc7: {  	[dreg:$0x1] =	wrdreg $0xFFFFFFFF  }
0xc8: {  	_ =	task.clear_ibuf [dreg:s8], $0x2FFFF;
	_ =	strace $0x9FFFFFFF  }
0xc9: {  	(tm) =	ssettm $0x7FFFFFFF  }
tec
execute0_lowered:
.L_overlay_start_1:
0x0: {  	(tag) =	ssettag $0x1  }
0x1: {  	s5 =	rddreg [dreg:$0x0]  }
0x2: {  	s1 =	srdreg.scid;
	s3 =	rddreg [dreg:$0x1]  }
0x3: {  	s0 =	stileid.u32;
	s9 =	rddreg [dreg:$0x2];
	s6 =	sand.u32 $0x1, s1  }
0x4: {  	s2 =	simm.s32 $0x0;
	s4 =	sshll.u32 s0, $0x7;
	s7 =	sshll.u32 s6, $0x6  }
0x5: {  	s8 =	simm.s32 $0x1;
	[smem:$0x7FF] =	sst s2;
	s10 =	sor.u32 s7, s4  }
0x6: {  	s1 =	rddreg [dreg:$0x3];
	_ =	strace $0x80000047;
	s4 =	sshrl.u32 s10, $0x3  }
0x7: {  	s11 =	ssub.s32 $0x2, s6;
	s4 =	sadd.s32 s3, s4;
	s3 =	simm.s32 $0x2  }
0x8: {  	[tilespmem:s2], [sflag:$0x2] =	stream.linear.gather [hbm4b:s4+s2], $0x40, $0x38;
	[tilespmem:$0x2080] =	vst v63  }
0x9: {  	s5 =	sadd.s32 $0x3A00, s5;
	s12 =	sshrl.u32 s11, $0x1;
	_ =	swait.ge [sflag:s3], $0x40  }
0xa: {  	s6 =	simm.s32 $0x40;
	s11 =	ssub.s32 s11, s12;
	[sflag:s3] =	ssyncset.done $0x0  }
0xb: {  	s7 =	simm.s32 $0x80;
	s31 =	smax.u32 s11, $0x1;
	[sflag:s3] =	ssyncadd.s32 $0xFFFFFFC0  }
0xc: {  	[tilespmem:s7], [sflag:$0x1] =	stream.indirect.gather [hbm4b:s5+s6], $0x80, s2, s6, $0xb8;
	[tilespmem:$0x2080] =	vst v63  }
0xd: {  	p0 =	sne.s32 s31, $0x1;
	_ =	swait.ge [sflag:s8], $0x2000  }
.Ltmp0:
0xe: {  	s10 =	sshll.u32 s10, $0x4;
	[sflag:s8] =	ssyncset.done $0x0;
	(pc) =	sbr.rel @!p0 .LBB2_2-.Ltmp0, $4  }
0xf: {  	s9 =	sadd.s32 s9, s10;
	[sflag:s8] =	ssyncadd.s32 $0xFFFFE000  }
0x10: {  	[hbm4b:s9+s2] =	stream.linear.scatter [tilespmem:s7], [sflag:$0x2], $0x2000, $0x38;
	[tilespmem:$0x2080] =	vst v63  }
0x11: {  	_ =	swait.ge [sflag:s3], $0x2000  }
0x12: {  	s10 =	sadd.s32 $0xFFFFFFFF, s31;
	[sflag:s3] =	ssyncset.done $0x0  }
.LBB2_1:
0x13: {  	p0 =	sne.s32 s10, $0x1;
	s10 =	sadd.s32 $0xFFFFFFFF, s10;
	[sflag:s3] =	ssyncadd.s32 $0xFFFFE000  }
0x14: {  	[tilespmem:s2], [sflag:$0x2] =	stream.linear.gather [hbm4b:s4+s2], $0x40, $0x38;
	[tilespmem:$0x2080] =	vst v63  }
0x15: {  	_ =	swait.ge [sflag:s3], $0x40  }
0x16: {  	[sflag:s3] =	ssyncset.done $0x0  }
0x17: {  	[sflag:s3] =	ssyncadd.s32 $0xFFFFFFC0  }
0x18: {  	[tilespmem:s7], [sflag:$0x1] =	stream.indirect.gather [hbm4b:s5+s6], $0x80, s2, s6, $0xb8;
	[tilespmem:$0x2080] =	vst v63  }
0x19: {  	_ =	swait.ge [sflag:s8], $0x2000  }
.Ltmp1:
0x1a: {  	[sflag:s8] =	ssyncset.done $0x0;
	(pc) =	sbr.rel @p0 .LBB2_1-.Ltmp1, $4  }
0x1b: {  	[sflag:s8] =	ssyncadd.s32 $0xFFFFE000  }
0x1c: {  	[hbm4b:s9+s2] =	stream.linear.scatter [tilespmem:s7], [sflag:$0x2], $0x2000, $0x38;
	[tilespmem:$0x2080] =	vst v63  }
0x1d: {  	_ =	swait.ge [sflag:s3], $0x2000  }
0x1e: {  	[sflag:s3] =	ssyncset.done $0x0  }
.LBB2_2:
0x1f: {  	[sflag:s3] =	ssyncadd.s32 $0xFFFFE000  }
0x20: {  	_ =	sfence.sel $0x180000  }
0x21: {  	[bflag:$0x0] =	sbarrier.arrive $0xFFFF  }
0x22: {  	p0 =	sne.s32 s0, $0x0;
	_ =	strace $0x90000047  }
0x23: {  	s0 =	sadd.s32 @!p0 $0x100000, s1;
	[bflag:$0x2] =	sbarrier.arrive $0xFFFF  }
0x24: {  	[sflag:s0] =	ssyncadd.tile.s32 @!p0 $0x1;
	_ =	shalt  }
.Lfunc_end2:
_tile_overlayer_lowered:
.L_overlay_start_2:
0x25: {  	(tag) =	ssettag $0x2  }
0x26: {  	s0 =	rddreg [dreg:$0x0];
	s2 =	stileid.u32  }
0x27: {  	s1 =	rddreg [dreg:$0x1];
	p0 =	sne.s32 s2, $0x0  }
0x28: {  	s3 =	rddreg [dreg:$0x2];
	[bflag:$0x3] =	sbarrier.arrive $0xFFFF;
	s2 =	simm.s32 @!p0 $0x1C02  }
0x29: {  	[timem:s3], [sflag:s2] =	dma.local @!p0 [hbm:s0], s1  }
0x2a: {  	s0 =	simm.s32 @!p0 $0x2  }
0x2b: {  	_ =	swait.ge @!p0 [sflag:s0], s1  }
0x2c: {  	s1 =	ssub.s32 @!p0 $0x0, s1;
	[sflag:s0] =	ssyncset.done @!p0 $0x0  }
0x2d: {  	[sflag:s0] =	ssyncadd.s32 @!p0 s1  }
0x2e: {  	[bflag:$0x3] =	sbarrier.arrive $0xFFFF  }
0x2f: {  	_ =	shalt  }

// kernel: kernel.16.cloned.1.call-start
scs
__scs_entry_jumppad:
0x0: {  	(pc) =	sbr.rel $0x88, $3  }
0x1: {  	(tag) =	ssettag $0x0;
	lr =	simm.s32 $0x1  }
0x2: {  	[smem:$0x3F90] =	sst lr;
	_ =	strace $0xD0000000  }
0x3: {  	_ = 	snop  }
0x4: {  	_ = 	snop  }
0x5: {  	_ = 	snop  }
0x6: {  	_ = 	snop  }
0x7: {  	_ = 	snop  }
__scs_overlays_trampoline_lowered:
0x8: {  	[smem:$0x3F9F] =	sst s0  }
0x9: {  	[smem:$0x3FA0] =	sst s1  }
0xa: {  	[smem:$0x3FA1] =	sst s2  }
0xb: {  	[smem:$0x3FA2] =	sst s3  }
0xc: {  	[smem:$0x3FA3] =	sst s4  }
0xd: {  	[smem:$0x3FA4] =	sst s5  }
0xe: {  	[smem:$0x3FA5] =	sst s6  }
0xf: {  	[smem:$0x3FA6] =	sst s7  }
0x10: {  	[smem:$0x3FA7] =	sst s8  }
0x11: {  	[smem:$0x3FA8] =	sst s9;
	s0 =	simm.s32 @!p0 $0x0  }
0x12: {  	s1 =	sld [smem:$0x3F8E];
	s0 =	simm.s32 @p0 $0x1  }
0x13: {  	[smem:$0x3FA9] =	sst s0;
	s0 =	simm.s32 @!p1 $0x0  }
0x14: {  	s2 =	sld [smem:$0x3F8D];
	s0 =	simm.s32 @p1 $0x1  }
0x15: {  	[smem:$0x3FAA] =	sst s0;
	s0 =	simm.s32 @!p2 $0x0  }
0x16: {  	s3 =	sld [smem:$0x3FDB];
	s0 =	simm.s32 @p2 $0x1  }
0x17: {  	s4 =	simm.s32 $0x1BF5;
	[smem:$0x3FAC] =	sst s0  }
0x18: {  	s0 =	sld [smem:$0x3F8F];
	_ =	swait.ge [sflag:s4], $0x0  }
0x19: {  	s7 =	sld [smem:$0x3F90]  }
0x1a: {  	s8 =	sadd.s32 $0xFFFFE003, lr  }
0x1b: {  	s9 =	sadd.s32 $0xFFFFFEF7, lr;
	s5 =	simm.s32 $0xFFFFFFFF;
	p2 =	slt.u32 s8, $0xFFFFF086  }
0x1c: {  	p1 =	slt.u32 s9, $0xF7A;
	s5 =	simm.s32 @!p2 $0x0  }
0x1d: {  	s5 =	simm.s32 @p1 $0x1;
	p0 =	seq.s32 s7, s2  }
0x1e: {  	s7 =	smul.u32 @!p0 $0xF7A, s2;
	p2 =	seq.s32 @!p0 s5, $0x0  }
0x1f: {  	s9 =	smul.u32 $0xF7A, s1;
	s8 =	simm.s32 @!p0 $0x1BF5;
	p2 =	por !p2, p0  }
0x20: {  	[sflag:s8] =	ssyncset.s32 @!p0 $0xFFFFF086;
	s6 =	sadd.s32 @!p0 s3, s7;
	s7 =	simm.s32 @!p0 $0x108  }
0x21: {  	s3 =	sadd.s32 s3, s9;
	s6 =	sadd.s32 @!p0 $0x88, s6;
	s7 =	simm.s32 @p2 $0x1082  }
0x22: {  	[simem:s7], [sflag:s8] =	dma.local @!p0 [hbm:s6], $0xF7A  }
0x23: {  	s9 =	sor.u32 $0xD0000000, s2;
	s6 =	simm.s32 $0x108;
	_ =	swait.ge @!p0 [sflag:s8], $0x0  }
0x24: {  	s3 =	sadd.s32 $0x88, s3;
	s6 =	simm.s32 @!p1 $0x1082;
	[sflag:s4] =	ssyncset.s32 $0xFFFFF086  }
0x25: {  	[simem:s6], [sflag:s4] =	dma.local [hbm:s3], $0xF7A  }
0x26: {  	[smem:$0x3F90] =	sst s1;
	(tag) =	ssettag s2;
	_ =	strace s9  }
0x27: {  	s1 =	sld [smem:$0x3FA0]  }
0x28: {  	s2 =	sld [smem:$0x3FA1]  }
0x29: {  	s4 =	sld [smem:$0x3FA3]  }
0x2a: {  	p0 =	seq.s32 s5, $0x0;
	s5 =	sld [smem:$0x3FA4]  }
0x2b: {  	s6 =	sld [smem:$0x3FA5]  }
0x2c: {  	s7 =	sld [smem:$0x3FA6]  }
0x2d: {  	s3 =	simm.s32 $0x108;
	s8 =	sld [smem:$0x3FA7]  }
0x2e: {  	s3 =	simm.s32 @!p0 $0x1082;
	s9 =	sld [smem:$0x3FA8]  }
0x2f: {  	lr =	sadd.s32 s0, s3;
	s0 =	sld [smem:$0x3F9F]  }
0x30: {  	s3 =	sld [smem:$0x3FA2]  }
0x31: {  	[smem:$0x3FAB] =	sst s10  }
0x32: {  	s10 =	sld [smem:$0x3FA9];
	_ =	sdelay $0x3  }
0x33: {  	p0 =	seq.s32 s10, $0x1;
	s10 =	sld [smem:$0x3FAB];
	_ =	sdelay $0x3  }
0x34: {  	[smem:$0x3FAB] =	sst s10  }
0x35: {  	s10 =	sld [smem:$0x3FAA];
	_ =	sdelay $0x3  }
0x36: {  	p1 =	seq.s32 s10, $0x1;
	s10 =	sld [smem:$0x3FAB];
	_ =	sdelay $0x3  }
0x37: {  	[smem:$0x3FAB] =	sst s10  }
0x38: {  	s10 =	sld [smem:$0x3FAC]  }
0x39: {  	_ = 	snop;
	(pc) =	sbr.ind lr, $3  }
0x3a: {  	_ = 	snop  }
0x3b: {  	_ = 	snop  }
0x3c: {  	p2 =	seq.s32 s10, $0x1;
	s10 =	sld [smem:$0x3FAB]  }
0x3d: {  	_ =	shalt  }
0x3e: {  	_ =	shalt  }
0x3f: {  	_ =	shalt  }
0x40: {  	_ =	shalt  }
0x41: {  	_ =	shalt  }
0x42: {  	_ =	shalt  }
0x43: {  	_ =	shalt  }
0x44: {  	_ =	shalt  }
0x45: {  	_ =	shalt  }
0x46: {  	_ =	shalt  }
0x47: {  	_ =	shalt  }
0x48: {  	_ =	shalt  }
0x49: {  	_ =	shalt  }
0x4a: {  	_ =	shalt  }
0x4b: {  	_ =	shalt  }
0x4c: {  	_ =	shalt  }
0x4d: {  	_ =	shalt  }
0x4e: {  	_ =	shalt  }
0x4f: {  	_ =	shalt  }
0x50: {  	_ =	shalt  }
0x51: {  	_ =	shalt  }
0x52: {  	_ =	shalt  }
0x53: {  	_ =	shalt  }
0x54: {  	_ =	shalt  }
0x55: {  	_ =	shalt  }
0x56: {  	_ =	shalt  }
0x57: {  	_ =	shalt  }
0x58: {  	_ =	shalt  }
0x59: {  	_ =	shalt  }
0x5a: {  	_ =	shalt  }
0x5b: {  	_ =	shalt  }
0x5c: {  	_ =	shalt  }
0x5d: {  	_ =	shalt  }
0x5e: {  	_ =	shalt  }
0x5f: {  	_ =	shalt  }
0x60: {  	_ =	shalt  }
0x61: {  	_ =	shalt  }
0x62: {  	_ =	shalt  }
0x63: {  	_ =	shalt  }
0x64: {  	_ =	shalt  }
0x65: {  	_ =	shalt  }
0x66: {  	_ =	shalt  }
0x67: {  	_ =	shalt  }
0x68: {  	_ =	shalt  }
0x69: {  	_ =	shalt  }
0x6a: {  	_ =	shalt  }
0x6b: {  	_ =	shalt  }
0x6c: {  	_ =	shalt  }
0x6d: {  	_ =	shalt  }
0x6e: {  	_ =	shalt  }
0x6f: {  	_ =	shalt  }
0x70: {  	_ =	shalt  }
0x71: {  	_ =	shalt  }
0x72: {  	_ =	shalt  }
0x73: {  	_ =	shalt  }
0x74: {  	_ =	shalt  }
0x75: {  	_ =	shalt  }
0x76: {  	_ =	shalt  }
0x77: {  	_ =	shalt  }
0x78: {  	_ =	shalt  }
0x79: {  	_ =	shalt  }
0x7a: {  	_ =	shalt  }
0x7b: {  	_ =	shalt  }
0x7c: {  	_ =	shalt  }
0x7d: {  	_ =	shalt  }
0x7e: {  	_ =	shalt  }
0x7f: {  	_ =	shalt  }
0x80: {  	_ =	shalt  }
0x81: {  	_ =	shalt  }
0x82: {  	_ =	shalt  }
0x83: {  	_ =	shalt  }
0x84: {  	_ =	shalt  }
0x85: {  	_ =	shalt  }
0x86: {  	_ =	shalt  }
0x87: {  	_ =	shalt  }
.Lfunc_end0:
.L_simem_size_0:
called_computation.1_lowered:
.L_overlay_start_0:
0x88: {  	s2 =	sld [smem:$0x3FD9]  }
0x89: {  	s3 =	sld [smem:$0x3FFE];
	_ =	sdelay $0x1  }
0x8a: {  	s1 =	srdreg.scid  }
0x8b: {  	s0 =	sand.u32 $0x1, s1  }
0x8c: {  	s16 =	sshll.u32 s0, $0xA;
	s2 =	sadd.s32 s3, s2  }
0x8d: {  	s2 =	sadd.s32 s2, s16  }
0x8e: {  	[smem:$0x3FB7] =	sst s2  }
0x8f: {  	_ = 	snop  }
0x90: {  	(tm) =	ssettm $0x1  }
0x91: {  	s17 =	sld [smem:$0x3FFB];
	_ =	sdelay $0x3  }
0x92: {  	_ =	strace s17  }
0x93: {  	s2 =	sld [smem:$0x3FFC];
	_ =	sdelay $0x3  }
0x94: {  	_ =	strace s2  }
0x95: {  	s2 =	sld [smem:$0x3FFD];
	_ =	sdelay $0x3  }
0x96: {  	_ =	strace s2  }
0x97: {  	_ =	strace $0x8FFFFFFF  }
0x98: {  	s18 =	sld [smem:$0x3FDB];
	_ =	sdelay $0x1  }
0x99: {  	s19 =	simm.s32 $_scs_section_size  }
0x9a: {  	s4 =	simm.s32 $_size__tile_overlayer_lowered;
	s5 =	simm.s32 $_tile_overlayer_lowered  }
0x9b: {  	s22 =	simm.s32 $0x1BFF;
	s21 =	sshll.u32 s5, $0x1;
	s2 =	sadd.s32 s19, s18  }
0x9c: {  	s6 =	simm.s32 $0x0;
	s20 =	sshll.u32 s4, $0x1;
	s4 =	sadd.s32 s21, s2  }
0x9d: {  	[timem:s6], [sflag:s22] =	dma.local [hbm:s4], s20  }
0x9e: {  	_ =	swait.ge [sflag:s22], s20  }
0x9f: {  	s3 =	ssub.s32 $0x0, s20;
	[sflag:s22] =	ssyncset.done $0x0  }
0xa0: {  	[sflag:s22] =	ssyncadd.s32 s3;
	_ =	sdelay $0x1  }
0xa1: {  	s23 =	simm.s32 $0x1B8B  }
0xa2: {  	_ =	swait.ge [sflag:s23], $0x1  }
0xa3: {  	[sflag:s23] =	ssyncset.done $0x0  }
0xa4: {  	s25 =	simm.s32 $0x1B8E;
	s24 =	sld [smem:$0x3FFE];
	[sflag:s23] =	ssyncadd.s32 $0xFFFFFFFF  }
0xa5: {  	s26 =	simm.s32 $execute0_lowered;
	[smem:$0x3FD2] =	sst s25  }
0xa6: {  	s4 =	sshll.u32 s26, $0x1;
	_ =	strace $0x80000049;
	[dreg:$0x1] =	wrdreg $0xFFFFFFFF  }
0xa7: {  	s28 =	simm.s32 $_size_execute0_lowered;
	s2 =	sadd.s32 s2, s4;
	[dreg:$0x0] =	wrdreg $0x0  }
0xa8: {  	s4 =	sshll.u32 s28, $0x1;
	[dreg:$0x2] =	wrdreg s2  }
0xa9: {  	[dreg:$0x3] =	wrdreg s4  }
0xaa: {  	[dreg:$0x4] =	wrdreg $0xC0  }
0xab: {  	_ =	task [dreg:s6], $0x5FFFF  }
0xac: {  	[dreg:$0x1] =	wrdreg $0xFFFFFFFF  }
0xad: {  	[dreg:$0x0] =	wrdreg $0x60  }
0xae: {  	[dreg:$0x2] =	wrdreg s24  }
0xaf: {  	[dreg:$0x3] =	wrdreg $0x9  }
0xb0: {  	_ =	task.clear_ibuf [dreg:s6], $0x4FFFF;
	_ =	strace $0x90000049  }
0xb1: {  	s29 =	simm.s32 $0x9;
	_ =	strace $0x8000004B  }
0xb2: {  	_ =	swait.ge [sflag:s29], $0x1  }
0xb3: {  	[sflag:s29] =	ssyncadd.s32 $0xFFFFFFFF  }
0xb4: {  	_ =	strace $0x9000004B  }
0xb5: {  	_ =	sfence  }
0xb6: {  	s30 =	sld [smem:$0x0];
	_ =	sdelay $0x2  }
0xb7: {  	s31 =	sshll.u32 s1, $0xD;
	s1 =	sshrl.u32 s1, $0x2  }
0xb8: {  	s3 =	sand.u32 $0x4000, s31;
	s1 =	sadd.s32 s1, s30  }
0xb9: {  	s0 =	sor.u32 s3, s0;
	s1 =	sshll.u32 s1, $0x11  }
0xba: {  	s0 =	sor.u32 s1, s0  }
0xbb: {  	s0 =	sadd.s32 $0x8F2B, s0  }
0xbc: {  	[sflag:s0] =	ssyncadd.remote.s32 $0x1  }
0xbd: {  	_ =	sfence.sel $0xFFFF  }
0xbe: {  	[dreg:$0x0] =	wrdreg $0xFFFFFFFF;
	(pc) =	sbr.abs _section_cstart, $3  }
0xbf: {  	[dreg:$0x1] =	wrdreg $0xFFFFFFFF  }
0xc0: {  	_ =	task.clear_ibuf [dreg:s6], $0x2FFFF;
	_ =	strace $0x9FFFFFFF  }
0xc1: {  	(tm) =	ssettm $0x7FFFFFFF  }
tec
execute0_lowered:
.L_overlay_start_1:
0x0: {  	(tag) =	ssettag $0x1  }
0x1: {  	s4 =	rddreg [dreg:$0x0]  }
0x2: {  	s0 =	rddreg [dreg:$0x1];
	s2 =	simm.s32 $0x0;
	s3 =	srdreg.scid  }
0x3: {  	s1 =	stileid.u32;
	s10 =	simm.s32 $0x0;
	[smem:$0x7FF] =	sst s2  }
0x4: {  	s5 =	sand.u32 $0x1, s3;
	s6 =	sshll.u32 s1, $0xC;
	s3 =	sadd.s32 $0x3A00, s4  }
0x5: {  	s8 =	sshll.u32 s1, $0x10;
	_ =	strace $0x8000004A;
	s7 =	sshll.u32 s5, $0xB  }
0x6: {  	s31 =	ssub.s32 $0x2, s5;
	s8 =	sadd.s32 s8, s4;
	s5 =	sshll.u32 s5, $0xF  }
0x7: {  	s6 =	sor.u32 s7, s6;
	s9 =	sshrl.u32 s31, $0x1;
	s5 =	sadd.s32 s5, s8  }
0x8: {  	s8 =	simm.s32 $0x80;
	s6 =	sshrl.u32 s6, $0x3;
	s7 =	ssub.s32 s31, s9  }
0x9: {  	s5 =	sadd.s32 $0x45A00, s5;
	s9 =	simm.s32 $0x1;
	s6 =	sadd.s32 s6, s4  }
0xa: {  	s4 =	smax.u32 s7, $0x1;
	s7 =	simm.s32 $0x2;
	s6 =	sadd.s32 $0x43A00, s6  }
.LBB2_1:
0xb: {  	s11 =	sadd.s32 $0x0, s6  }
0xc: {  	[tilespmem:s2], [sflag:$0x2] =	stream.linear.gather [hbm4b:s11+s2], $0x80, $0x38;
	[tilespmem:$0x4080] =	vst v63  }
0xd: {  	_ =	swait.ge [sflag:s7], $0x80  }
0xe: {  	[sflag:s7] =	ssyncset.done $0x0  }
0xf: {  	[sflag:s7] =	ssyncadd.s32 $0xFFFFFF80  }
0x10: {  	[tilespmem:s8], [sflag:$0x1] =	stream.indirect.gather [hbm4b:s3+s8], $0x80, s2, s8, $0xb8;
	[tilespmem:$0x4080] =	vst v63  }
0x11: {  	_ =	swait.ge [sflag:s9], $0x4000  }
0x12: {  	[sflag:s9] =	ssyncset.done $0x0  }
0x13: {  	[sflag:s9] =	ssyncadd.s32 $0xFFFFC000  }
0x14: {  	[hbm4b:s5+s2] =	stream.linear.scatter [tilespmem:s8], [sflag:$0x2], $0x4000, $0x38;
	[tilespmem:$0x4080] =	vst v63  }
0x15: {  	s12 =	simm.s32 $0x10;
	_ =	swait.ge [sflag:s7], $0x4000  }
0x16: {  	s13 =	simm.s32 $0x20;
	s11 =	sadd.s32 $0x800, s5;
	[sflag:s7] =	ssyncset.done $0x0  }
.LBB2_2:
0x17: {  	s14 =	sadd.s32 s12, s6  }
0x18: {  	[sflag:s7] =	ssyncadd.s32 $0xFFFFC000;
	s12 =	smov.u32 s13;
	s15 =	sadd.s32 $0x10, s13  }
0x19: {  	[tilespmem:s2], [sflag:$0x2] =	stream.linear.gather [hbm4b:s14+s2], $0x80, $0x38;
	[tilespmem:$0x4080] =	vst v63  }
0x1a: {  	p0 =	sne.s32 s13, $0xF0;
	_ =	swait.ge [sflag:s7], $0x80  }
0x1b: {  	[sflag:s7] =	ssyncset.done $0x0  }
0x1c: {  	[sflag:s7] =	ssyncadd.s32 $0xFFFFFF80  }
0x1d: {  	[tilespmem:s8], [sflag:$0x1] =	stream.indirect.gather [hbm4b:s3+s8], $0x80, s2, s8, $0xb8;
	[tilespmem:$0x4080] =	vst v63  }
0x1e: {  	_ =	swait.ge [sflag:s9], $0x4000  }
.Ltmp0:
0x1f: {  	[sflag:s9] =	ssyncset.done $0x0;
	(pc) =	sbr.rel @p0 .LBB2_2-.Ltmp0, $4  }
0x20: {  	[sflag:s9] =	ssyncadd.s32 $0xFFFFC000  }
0x21: {  	[hbm4b:s11+s2] =	stream.linear.scatter [tilespmem:s8], [sflag:$0x2], $0x4000, $0x38;
	[tilespmem:$0x4080] =	vst v63  }
0x22: {  	_ =	swait.ge [sflag:s7], $0x4000  }
0x23: {  	s13 =	smov.u32 s15;
	s11 =	sadd.s32 $0x800, s11;
	[sflag:s7] =	ssyncset.done $0x0  }
0x24: {  	s12 =	sadd.s32 s12, s6;
	[sflag:s7] =	ssyncadd.s32 $0xFFFFC000  }
0x25: {  	[tilespmem:s2], [sflag:$0x2] =	stream.linear.gather [hbm4b:s12+s2], $0x80, $0x38;
	[tilespmem:$0x4080] =	vst v63  }
0x26: {  	_ =	swait.ge [sflag:s7], $0x80  }
0x27: {  	[sflag:s7] =	ssyncset.done $0x0  }
0x28: {  	[sflag:s7] =	ssyncadd.s32 $0xFFFFFF80  }
0x29: {  	[tilespmem:s8], [sflag:$0x1] =	stream.indirect.gather [hbm4b:s3+s8], $0x80, s2, s8, $0xb8;
	[tilespmem:$0x4080] =	vst v63  }
0x2a: {  	s10 =	sadd.s32 $0x1, s10;
	_ =	swait.ge [sflag:s9], $0x4000  }
0x2b: {  	p0 =	sne.s32 s10, s4;
	[sflag:s9] =	ssyncset.done $0x0  }
.Ltmp1:
0x2c: {  	[sflag:s9] =	ssyncadd.s32 $0xFFFFC000;
	(pc) =	sbr.rel @p0 .LBB2_1-.Ltmp1, $4  }
0x2d: {  	[hbm4b:s11+s2] =	stream.linear.scatter [tilespmem:s8], [sflag:$0x2], $0x4000, $0x38;
	[tilespmem:$0x4080] =	vst v63  }
0x2e: {  	_ =	swait.ge [sflag:s7], $0x4000  }
0x2f: {  	[sflag:s7] =	ssyncset.done $0x0  }
0x30: {  	[sflag:s7] =	ssyncadd.s32 $0xFFFFC000  }
0x31: {  	_ =	sfence.sel $0x180000  }
0x32: {  	[bflag:$0x0] =	sbarrier.arrive $0xFFFF  }
0x33: {  	p0 =	sne.s32 s1, $0x0;
	_ =	strace $0x9000004A  }
0x34: {  	s0 =	sadd.s32 @!p0 $0x100000, s0;
	[bflag:$0x2] =	sbarrier.arrive $0xFFFF  }
0x35: {  	[sflag:s0] =	ssyncadd.tile.s32 @!p0 $0x1;
	_ =	shalt  }
.Lfunc_end2:
_tile_overlayer_lowered:
.L_overlay_start_2:
0x36: {  	(tag) =	ssettag $0x2  }
0x37: {  	s0 =	rddreg [dreg:$0x0];
	s2 =	stileid.u32  }
0x38: {  	s1 =	rddreg [dreg:$0x1];
	p0 =	sne.s32 s2, $0x0  }
0x39: {  	s3 =	rddreg [dreg:$0x2];
	[bflag:$0x3] =	sbarrier.arrive $0xFFFF;
	s2 =	simm.s32 @!p0 $0x1C02  }
0x3a: {  	[timem:s3], [sflag:s2] =	dma.local @!p0 [hbm:s0], s1  }
0x3b: {  	s0 =	simm.s32 @!p0 $0x2  }
0x3c: {  	_ =	swait.ge @!p0 [sflag:s0], s1  }
0x3d: {  	s1 =	ssub.s32 @!p0 $0x0, s1;
	[sflag:s0] =	ssyncset.done @!p0 $0x0  }
0x3e: {  	[sflag:s0] =	ssyncadd.s32 @!p0 s1  }
0x3f: {  	[bflag:$0x3] =	sbarrier.arrive $0xFFFF  }
0x40: {  	_ =	shalt  }

// kernel: kernel.19.cloned.1.call-start
scs
__scs_entry_jumppad:
0x0: {  	(pc) =	sbr.rel $0x88, $3  }
0x1: {  	(tag) =	ssettag $0x0;
	lr =	simm.s32 $0x1  }
0x2: {  	[smem:$0x3F90] =	sst lr;
	_ =	strace $0xD0000000  }
0x3: {  	_ = 	snop  }
0x4: {  	_ = 	snop  }
0x5: {  	_ = 	snop  }
0x6: {  	_ = 	snop  }
0x7: {  	_ = 	snop  }
__scs_overlays_trampoline_lowered:
0x8: {  	[smem:$0x3F9F] =	sst s0  }
0x9: {  	[smem:$0x3FA0] =	sst s1  }
0xa: {  	[smem:$0x3FA1] =	sst s2  }
0xb: {  	[smem:$0x3FA2] =	sst s3  }
0xc: {  	[smem:$0x3FA3] =	sst s4  }
0xd: {  	[smem:$0x3FA4] =	sst s5  }
0xe: {  	[smem:$0x3FA5] =	sst s6  }
0xf: {  	[smem:$0x3FA6] =	sst s7  }
0x10: {  	[smem:$0x3FA7] =	sst s8  }
0x11: {  	[smem:$0x3FA8] =	sst s9;
	s0 =	simm.s32 @!p0 $0x0  }
0x12: {  	s1 =	sld [smem:$0x3F8E];
	s0 =	simm.s32 @p0 $0x1  }
0x13: {  	[smem:$0x3FA9] =	sst s0;
	s0 =	simm.s32 @!p1 $0x0  }
0x14: {  	s2 =	sld [smem:$0x3F8D];
	s0 =	simm.s32 @p1 $0x1  }
0x15: {  	[smem:$0x3FAA] =	sst s0;
	s0 =	simm.s32 @!p2 $0x0  }
0x16: {  	s3 =	sld [smem:$0x3FDB];
	s0 =	simm.s32 @p2 $0x1  }
0x17: {  	s4 =	simm.s32 $0x1BF5;
	[smem:$0x3FAC] =	sst s0  }
0x18: {  	s0 =	sld [smem:$0x3F8F];
	_ =	swait.ge [sflag:s4], $0x0  }
0x19: {  	s7 =	sld [smem:$0x3F90]  }
0x1a: {  	s8 =	sadd.s32 $0xFFFFE003, lr  }
0x1b: {  	s9 =	sadd.s32 $0xFFFFFEF7, lr;
	s5 =	simm.s32 $0xFFFFFFFF;
	p2 =	slt.u32 s8, $0xFFFFF086  }
0x1c: {  	p1 =	slt.u32 s9, $0xF7A;
	s5 =	simm.s32 @!p2 $0x0  }
0x1d: {  	s5 =	simm.s32 @p1 $0x1;
	p0 =	seq.s32 s7, s2  }
0x1e: {  	s7 =	smul.u32 @!p0 $0xF7A, s2;
	p2 =	seq.s32 @!p0 s5, $0x0  }
0x1f: {  	s9 =	smul.u32 $0xF7A, s1;
	s8 =	simm.s32 @!p0 $0x1BF5;
	p2 =	por !p2, p0  }
0x20: {  	[sflag:s8] =	ssyncset.s32 @!p0 $0xFFFFF086;
	s6 =	sadd.s32 @!p0 s3, s7;
	s7 =	simm.s32 @!p0 $0x108  }
0x21: {  	s3 =	sadd.s32 s3, s9;
	s6 =	sadd.s32 @!p0 $0x88, s6;
	s7 =	simm.s32 @p2 $0x1082  }
0x22: {  	[simem:s7], [sflag:s8] =	dma.local @!p0 [hbm:s6], $0xF7A  }
0x23: {  	s9 =	sor.u32 $0xD0000000, s2;
	s6 =	simm.s32 $0x108;
	_ =	swait.ge @!p0 [sflag:s8], $0x0  }
0x24: {  	s3 =	sadd.s32 $0x88, s3;
	s6 =	simm.s32 @!p1 $0x1082;
	[sflag:s4] =	ssyncset.s32 $0xFFFFF086  }
0x25: {  	[simem:s6], [sflag:s4] =	dma.local [hbm:s3], $0xF7A  }
0x26: {  	[smem:$0x3F90] =	sst s1;
	(tag) =	ssettag s2;
	_ =	strace s9  }
0x27: {  	s1 =	sld [smem:$0x3FA0]  }
0x28: {  	s2 =	sld [smem:$0x3FA1]  }
0x29: {  	s4 =	sld [smem:$0x3FA3]  }
0x2a: {  	p0 =	seq.s32 s5, $0x0;
	s5 =	sld [smem:$0x3FA4]  }
0x2b: {  	s6 =	sld [smem:$0x3FA5]  }
0x2c: {  	s7 =	sld [smem:$0x3FA6]  }
0x2d: {  	s3 =	simm.s32 $0x108;
	s8 =	sld [smem:$0x3FA7]  }
0x2e: {  	s3 =	simm.s32 @!p0 $0x1082;
	s9 =	sld [smem:$0x3FA8]  }
0x2f: {  	lr =	sadd.s32 s0, s3;
	s0 =	sld [smem:$0x3F9F]  }
0x30: {  	s3 =	sld [smem:$0x3FA2]  }
0x31: {  	[smem:$0x3FAB] =	sst s10  }
0x32: {  	s10 =	sld [smem:$0x3FA9];
	_ =	sdelay $0x3  }
0x33: {  	p0 =	seq.s32 s10, $0x1;
	s10 =	sld [smem:$0x3FAB];
	_ =	sdelay $0x3  }
0x34: {  	[smem:$0x3FAB] =	sst s10  }
0x35: {  	s10 =	sld [smem:$0x3FAA];
	_ =	sdelay $0x3  }
0x36: {  	p1 =	seq.s32 s10, $0x1;
	s10 =	sld [smem:$0x3FAB];
	_ =	sdelay $0x3  }
0x37: {  	[smem:$0x3FAB] =	sst s10  }
0x38: {  	s10 =	sld [smem:$0x3FAC]  }
0x39: {  	_ = 	snop;
	(pc) =	sbr.ind lr, $3  }
0x3a: {  	_ = 	snop  }
0x3b: {  	_ = 	snop  }
0x3c: {  	p2 =	seq.s32 s10, $0x1;
	s10 =	sld [smem:$0x3FAB]  }
0x3d: {  	_ =	shalt  }
0x3e: {  	_ =	shalt  }
0x3f: {  	_ =	shalt  }
0x40: {  	_ =	shalt  }
0x41: {  	_ =	shalt  }
0x42: {  	_ =	shalt  }
0x43: {  	_ =	shalt  }
0x44: {  	_ =	shalt  }
0x45: {  	_ =	shalt  }
0x46: {  	_ =	shalt  }
0x47: {  	_ =	shalt  }
0x48: {  	_ =	shalt  }
0x49: {  	_ =	shalt  }
0x4a: {  	_ =	shalt  }
0x4b: {  	_ =	shalt  }
0x4c: {  	_ =	shalt  }
0x4d: {  	_ =	shalt  }
0x4e: {  	_ =	shalt  }
0x4f: {  	_ =	shalt  }
0x50: {  	_ =	shalt  }
0x51: {  	_ =	shalt  }
0x52: {  	_ =	shalt  }
0x53: {  	_ =	shalt  }
0x54: {  	_ =	shalt  }
0x55: {  	_ =	shalt  }
0x56: {  	_ =	shalt  }
0x57: {  	_ =	shalt  }
0x58: {  	_ =	shalt  }
0x59: {  	_ =	shalt  }
0x5a: {  	_ =	shalt  }
0x5b: {  	_ =	shalt  }
0x5c: {  	_ =	shalt  }
0x5d: {  	_ =	shalt  }
0x5e: {  	_ =	shalt  }
0x5f: {  	_ =	shalt  }
0x60: {  	_ =	shalt  }
0x61: {  	_ =	shalt  }
0x62: {  	_ =	shalt  }
0x63: {  	_ =	shalt  }
0x64: {  	_ =	shalt  }
0x65: {  	_ =	shalt  }
0x66: {  	_ =	shalt  }
0x67: {  	_ =	shalt  }
0x68: {  	_ =	shalt  }
0x69: {  	_ =	shalt  }
0x6a: {  	_ =	shalt  }
0x6b: {  	_ =	shalt  }
0x6c: {  	_ =	shalt  }
0x6d: {  	_ =	shalt  }
0x6e: {  	_ =	shalt  }
0x6f: {  	_ =	shalt  }
0x70: {  	_ =	shalt  }
0x71: {  	_ =	shalt  }
0x72: {  	_ =	shalt  }
0x73: {  	_ =	shalt  }
0x74: {  	_ =	shalt  }
0x75: {  	_ =	shalt  }
0x76: {  	_ =	shalt  }
0x77: {  	_ =	shalt  }
0x78: {  	_ =	shalt  }
0x79: {  	_ =	shalt  }
0x7a: {  	_ =	shalt  }
0x7b: {  	_ =	shalt  }
0x7c: {  	_ =	shalt  }
0x7d: {  	_ =	shalt  }
0x7e: {  	_ =	shalt  }
0x7f: {  	_ =	shalt  }
0x80: {  	_ =	shalt  }
0x81: {  	_ =	shalt  }
0x82: {  	_ =	shalt  }
0x83: {  	_ =	shalt  }
0x84: {  	_ =	shalt  }
0x85: {  	_ =	shalt  }
0x86: {  	_ =	shalt  }
0x87: {  	_ =	shalt  }
.Lfunc_end0:
.L_simem_size_0:
called_computation.2_lowered:
.L_overlay_start_0:
0x88: {  	s2 =	sld [smem:$0x3FD9]  }
0x89: {  	s3 =	sld [smem:$0x3FFE];
	_ =	sdelay $0x1  }
0x8a: {  	s1 =	srdreg.scid  }
0x8b: {  	s0 =	sand.u32 $0x1, s1  }
0x8c: {  	s14 =	sshll.u32 s0, $0xA;
	s2 =	sadd.s32 s3, s2  }
0x8d: {  	s2 =	sadd.s32 s2, s14  }
0x8e: {  	[smem:$0x3FB7] =	sst s2  }
0x8f: {  	_ = 	snop  }
0x90: {  	s2 =	sld [smem:$0x3FD0];
	_ =	sdelay $0x2  }
0x91: {  	s15 =	simm.s32 $0xA;
	s4 =	simm.s32 $0x10  }
0x92: {  	[smem:s4], [sflag:s15] =	dma.local [hbm:s2], $0x1  }
0x93: {  	_ =	swait.eq [sflag:s15], $0x1  }
0x94: {  	[sflag:s15] =	ssyncset.done $0x0  }
0x95: {  	[sflag:s15] =	ssyncadd.s32 $0xFFFFFFFF  }
0x96: {  	s16 =	sld [smem:$0x11];
	(tm) =	ssettm $0x1  }
0x97: {  	s17 =	sld [smem:$0x3FFB];
	_ =	sdelay $0x3  }
0x98: {  	_ =	strace s17  }
0x99: {  	s3 =	sld [smem:$0x3FFC];
	_ =	sdelay $0x3  }
0x9a: {  	_ =	strace s3  }
0x9b: {  	s3 =	sld [smem:$0x3FFD];
	_ =	sdelay $0x3  }
0x9c: {  	_ =	strace s3  }
0x9d: {  	_ =	strace $0x8FFFFFFF  }
0x9e: {  	s18 =	sld [smem:$0x3FDB];
	_ =	sdelay $0x1  }
0x9f: {  	s19 =	simm.s32 $_scs_section_size  }
0xa0: {  	s5 =	simm.s32 $_size__tile_overlayer_lowered;
	s6 =	simm.s32 $_tile_overlayer_lowered  }
0xa1: {  	s22 =	simm.s32 $0x1BFF;
	s21 =	sshll.u32 s6, $0x1;
	s3 =	sadd.s32 s19, s18  }
0xa2: {  	s7 =	simm.s32 $0x0;
	s20 =	sshll.u32 s5, $0x1;
	s5 =	sadd.s32 s21, s3  }
0xa3: {  	[timem:s7], [sflag:s22] =	dma.local [hbm:s5], s20  }
0xa4: {  	_ =	swait.ge [sflag:s22], s20  }
0xa5: {  	s4 =	ssub.s32 $0x0, s20;
	[sflag:s22] =	ssyncset.done $0x0  }
0xa6: {  	[sflag:s22] =	ssyncadd.s32 s4;
	_ =	sdelay $0x1  }
0xa7: {  	s23 =	simm.s32 $0x1B8B  }
0xa8: {  	_ =	swait.ge [sflag:s23], $0x1  }
0xa9: {  	[sflag:s23] =	ssyncset.done $0x0  }
0xaa: {  	s25 =	simm.s32 $0x1B8E;
	s24 =	sld [smem:$0x3FFE];
	[sflag:s23] =	ssyncadd.s32 $0xFFFFFFFF  }
0xab: {  	s26 =	simm.s32 $execute0_lowered;
	[smem:$0x3FD2] =	sst s25  }
0xac: {  	s5 =	sshll.u32 s26, $0x1;
	_ =	strace $0x8000004C;
	[dreg:$0x1] =	wrdreg $0xFFFFFFFF  }
0xad: {  	s28 =	simm.s32 $_size_execute0_lowered;
	s3 =	sadd.s32 s3, s5;
	[dreg:$0x0] =	wrdreg $0x0  }
0xae: {  	s5 =	sshll.u32 s28, $0x1;
	[dreg:$0x2] =	wrdreg s3  }
0xaf: {  	[dreg:$0x3] =	wrdreg s5  }
0xb0: {  	[dreg:$0x4] =	wrdreg $0xC0  }
0xb1: {  	_ =	task [dreg:s7], $0x5FFFF  }
0xb2: {  	[dreg:$0x1] =	wrdreg $0xFFFFFFFF  }
0xb3: {  	[dreg:$0x0] =	wrdreg $0x60  }
0xb4: {  	[dreg:$0x2] =	wrdreg s16  }
0xb5: {  	[dreg:$0x3] =	wrdreg s24  }
0xb6: {  	[dreg:$0x4] =	wrdreg $0x9  }
0xb7: {  	_ =	task.clear_ibuf [dreg:s7], $0x5FFFF;
	_ =	strace $0x9000004C  }
0xb8: {  	s29 =	simm.s32 $0x9;
	_ =	strace $0x8000004E  }
0xb9: {  	_ =	swait.ge [sflag:s29], $0x1  }
0xba: {  	[sflag:s29] =	ssyncadd.s32 $0xFFFFFFFF  }
0xbb: {  	_ =	strace $0x9000004E  }
0xbc: {  	_ =	sfence  }
0xbd: {  	s30 =	sld [smem:$0x0];
	_ =	sdelay $0x2  }
0xbe: {  	s31 =	sshll.u32 s1, $0xD;
	s1 =	sshrl.u32 s1, $0x2  }
0xbf: {  	s3 =	sand.u32 $0x4000, s31;
	s1 =	sadd.s32 s1, s30  }
0xc0: {  	s0 =	sor.u32 s3, s0;
	s1 =	sshll.u32 s1, $0x11  }
0xc1: {  	s0 =	sor.u32 s1, s0  }
0xc2: {  	s0 =	sadd.s32 $0x8F2B, s0  }
0xc3: {  	[sflag:s0] =	ssyncadd.remote.s32 $0x1  }
0xc4: {  	_ =	sfence.sel $0xFFFF  }
0xc5: {  	[dreg:$0x0] =	wrdreg $0xFFFFFFFF;
	(pc) =	sbr.abs _section_cstart, $3  }
0xc6: {  	[dreg:$0x1] =	wrdreg $0xFFFFFFFF  }
0xc7: {  	_ =	task.clear_ibuf [dreg:s7], $0x2FFFF;
	_ =	strace $0x9FFFFFFF  }
0xc8: {  	(tm) =	ssettm $0x7FFFFFFF  }
0xc9: {  	_ =	shalt  }
tec
execute0_lowered:
.L_overlay_start_1:
0x0: {  	(tag) =	ssettag $0x1  }
0x1: {  	s1 =	rddreg [dreg:$0x0]  }
0x2: {  	s4 =	rddreg [dreg:$0x1]  }
0x3: {  	s0 =	rddreg [dreg:$0x2];
	s5 =	srdreg.scid  }
0x4: {  	s3 =	simm.s32 $0x0;
	s2 =	stileid.u32;
	s10 =	simm.s32 $0x0  }
0x5: {  	s5 =	sand.u32 $0x1, s5;
	[smem:$0x7FF] =	sst s3;
	s6 =	sshll.u32 s2, $0xB  }
0x6: {  	s8 =	sshll.u32 s2, $0xF;
	s7 =	sshll.u32 s5, $0xA;
	_ =	strace $0x8000004D  }
0x7: {  	s31 =	ssub.s32 $0x2, s5;
	s8 =	sadd.s32 s8, s4;
	s5 =	sshll.u32 s5, $0xE  }
0x8: {  	s6 =	sor.u32 s7, s6;
	s9 =	sshrl.u32 s31, $0x1;
	s5 =	sadd.s32 s5, s8  }
0x9: {  	s8 =	simm.s32 $0x80;
	s6 =	sshrl.u32 s6, $0x3;
	s7 =	ssub.s32 s31, s9  }
0xa: {  	s5 =	sadd.s32 $0x3A00, s5;
	s9 =	simm.s32 $0x1;
	s6 =	sadd.s32 s6, s4  }
0xb: {  	s4 =	smax.u32 s7, $0x1;
	s7 =	simm.s32 $0x2;
	s6 =	sadd.s32 $0x145A00, s6  }
.LBB2_1:
0xc: {  	s11 =	sadd.s32 $0x0, s6  }
0xd: {  	[tilespmem:s3], [sflag:$0x2] =	stream.linear.gather [hbm4b:s11+s3], $0x80, $0x38;
	[tilespmem:$0x4080] =	vst v63  }
0xe: {  	_ =	swait.ge [sflag:s7], $0x80  }
0xf: {  	[sflag:s7] =	ssyncset.done $0x0  }
0x10: {  	[sflag:s7] =	ssyncadd.s32 $0xFFFFFF80  }
0x11: {  	[tilespmem:s8], [sflag:$0x1] =	stream.indirect.gather [hbm4b:s1+s8], $0x80, s3, s8, $0xb8;
	[tilespmem:$0x4080] =	vst v63  }
0x12: {  	_ =	swait.ge [sflag:s9], $0x4000  }
0x13: {  	[sflag:s9] =	ssyncset.done $0x0  }
0x14: {  	[sflag:s9] =	ssyncadd.s32 $0xFFFFC000  }
0x15: {  	[hbm4b:s5+s3] =	stream.linear.scatter [tilespmem:s8], [sflag:$0x2], $0x4000, $0x38;
	[tilespmem:$0x4080] =	vst v63  }
0x16: {  	s12 =	simm.s32 $0x10;
	_ =	swait.ge [sflag:s7], $0x4000  }
0x17: {  	s13 =	simm.s32 $0x20;
	s11 =	sadd.s32 $0x800, s5;
	[sflag:s7] =	ssyncset.done $0x0  }
.LBB2_2:
0x18: {  	s14 =	sadd.s32 s12, s6  }
0x19: {  	[sflag:s7] =	ssyncadd.s32 $0xFFFFC000;
	s12 =	smov.u32 s13;
	s15 =	sadd.s32 $0x10, s13  }
0x1a: {  	[tilespmem:s3], [sflag:$0x2] =	stream.linear.gather [hbm4b:s14+s3], $0x80, $0x38;
	[tilespmem:$0x4080] =	vst v63  }
0x1b: {  	p0 =	sne.s32 s13, $0x70;
	_ =	swait.ge [sflag:s7], $0x80  }
0x1c: {  	[sflag:s7] =	ssyncset.done $0x0  }
0x1d: {  	[sflag:s7] =	ssyncadd.s32 $0xFFFFFF80  }
0x1e: {  	[tilespmem:s8], [sflag:$0x1] =	stream.indirect.gather [hbm4b:s1+s8], $0x80, s3, s8, $0xb8;
	[tilespmem:$0x4080] =	vst v63  }
0x1f: {  	_ =	swait.ge [sflag:s9], $0x4000  }
.Ltmp0:
0x20: {  	[sflag:s9] =	ssyncset.done $0x0;
	(pc) =	sbr.rel @p0 .LBB2_2-.Ltmp0, $4  }
0x21: {  	[sflag:s9] =	ssyncadd.s32 $0xFFFFC000  }
0x22: {  	[hbm4b:s11+s3] =	stream.linear.scatter [tilespmem:s8], [sflag:$0x2], $0x4000, $0x38;
	[tilespmem:$0x4080] =	vst v63  }
0x23: {  	_ =	swait.ge [sflag:s7], $0x4000  }
0x24: {  	s13 =	smov.u32 s15;
	s11 =	sadd.s32 $0x800, s11;
	[sflag:s7] =	ssyncset.done $0x0  }
0x25: {  	s12 =	sadd.s32 s12, s6;
	[sflag:s7] =	ssyncadd.s32 $0xFFFFC000  }
0x26: {  	[tilespmem:s3], [sflag:$0x2] =	stream.linear.gather [hbm4b:s12+s3], $0x80, $0x38;
	[tilespmem:$0x4080] =	vst v63  }
0x27: {  	_ =	swait.ge [sflag:s7], $0x80  }
0x28: {  	[sflag:s7] =	ssyncset.done $0x0  }
0x29: {  	[sflag:s7] =	ssyncadd.s32 $0xFFFFFF80  }
0x2a: {  	[tilespmem:s8], [sflag:$0x1] =	stream.indirect.gather [hbm4b:s1+s8], $0x80, s3, s8, $0xb8;
	[tilespmem:$0x4080] =	vst v63  }
0x2b: {  	s10 =	sadd.s32 $0x1, s10;
	_ =	swait.ge [sflag:s9], $0x4000  }
0x2c: {  	p0 =	sne.s32 s10, s4;
	[sflag:s9] =	ssyncset.done $0x0  }
.Ltmp1:
0x2d: {  	[sflag:s9] =	ssyncadd.s32 $0xFFFFC000;
	(pc) =	sbr.rel @p0 .LBB2_1-.Ltmp1, $4  }
0x2e: {  	[hbm4b:s11+s3] =	stream.linear.scatter [tilespmem:s8], [sflag:$0x2], $0x4000, $0x38;
	[tilespmem:$0x4080] =	vst v63  }
0x2f: {  	_ =	swait.ge [sflag:s7], $0x4000  }
0x30: {  	[sflag:s7] =	ssyncset.done $0x0  }
0x31: {  	[sflag:s7] =	ssyncadd.s32 $0xFFFFC000  }
0x32: {  	_ =	sfence.sel $0x180000  }
0x33: {  	[bflag:$0x0] =	sbarrier.arrive $0xFFFF  }
0x34: {  	p0 =	sne.s32 s2, $0x0;
	_ =	strace $0x9000004D  }
0x35: {  	s0 =	sadd.s32 @!p0 $0x100000, s0;
	[bflag:$0x2] =	sbarrier.arrive $0xFFFF  }
0x36: {  	[sflag:s0] =	ssyncadd.tile.s32 @!p0 $0x1;
	_ =	shalt  }
.Lfunc_end2:
_tile_overlayer_lowered:
.L_overlay_start_2:
0x37: {  	(tag) =	ssettag $0x2  }
0x38: {  	s0 =	rddreg [dreg:$0x0];
	s2 =	stileid.u32  }
0x39: {  	s1 =	rddreg [dreg:$0x1];
	p0 =	sne.s32 s2, $0x0  }
0x3a: {  	s3 =	rddreg [dreg:$0x2];
	[bflag:$0x3] =	sbarrier.arrive $0xFFFF;
	s2 =	simm.s32 @!p0 $0x1C02  }
0x3b: {  	[timem:s3], [sflag:s2] =	dma.local @!p0 [hbm:s0], s1  }
0x3c: {  	s0 =	simm.s32 @!p0 $0x2  }
0x3d: {  	_ =	swait.ge @!p0 [sflag:s0], s1  }
0x3e: {  	s1 =	ssub.s32 @!p0 $0x0, s1;
	[sflag:s0] =	ssyncset.done @!p0 $0x0  }
0x3f: {  	[sflag:s0] =	ssyncadd.s32 @!p0 s1  }
0x40: {  	[bflag:$0x3] =	sbarrier.arrive $0xFFFF  }
0x41: {  	_ =	shalt  }

// kernel: kernel.22.cloned.1.call-start
scs
__scs_entry_jumppad:
0x0: {  	(pc) =	sbr.rel $0x88, $3  }
0x1: {  	(tag) =	ssettag $0x0;
	lr =	simm.s32 $0x1  }
0x2: {  	[smem:$0x3F90] =	sst lr;
	_ =	strace $0xD0000000  }
0x3: {  	_ = 	snop  }
0x4: {  	_ = 	snop  }
0x5: {  	_ = 	snop  }
0x6: {  	_ = 	snop  }
0x7: {  	_ = 	snop  }
__scs_overlays_trampoline_lowered:
0x8: {  	[smem:$0x3F9F] =	sst s0  }
0x9: {  	[smem:$0x3FA0] =	sst s1  }
0xa: {  	[smem:$0x3FA1] =	sst s2  }
0xb: {  	[smem:$0x3FA2] =	sst s3  }
0xc: {  	[smem:$0x3FA3] =	sst s4  }
0xd: {  	[smem:$0x3FA4] =	sst s5  }
0xe: {  	[smem:$0x3FA5] =	sst s6  }
0xf: {  	[smem:$0x3FA6] =	sst s7  }
0x10: {  	[smem:$0x3FA7] =	sst s8  }
0x11: {  	[smem:$0x3FA8] =	sst s9;
	s0 =	simm.s32 @!p0 $0x0  }
0x12: {  	s1 =	sld [smem:$0x3F8E];
	s0 =	simm.s32 @p0 $0x1  }
0x13: {  	[smem:$0x3FA9] =	sst s0;
	s0 =	simm.s32 @!p1 $0x0  }
0x14: {  	s2 =	sld [smem:$0x3F8D];
	s0 =	simm.s32 @p1 $0x1  }
0x15: {  	[smem:$0x3FAA] =	sst s0;
	s0 =	simm.s32 @!p2 $0x0  }
0x16: {  	s3 =	sld [smem:$0x3FDB];
	s0 =	simm.s32 @p2 $0x1  }
0x17: {  	s4 =	simm.s32 $0x1BF5;
	[smem:$0x3FAC] =	sst s0  }
0x18: {  	s0 =	sld [smem:$0x3F8F];
	_ =	swait.ge [sflag:s4], $0x0  }
0x19: {  	s7 =	sld [smem:$0x3F90]  }
0x1a: {  	s8 =	sadd.s32 $0xFFFFE003, lr  }
0x1b: {  	s9 =	sadd.s32 $0xFFFFFEF7, lr;
	s5 =	simm.s32 $0xFFFFFFFF;
	p2 =	slt.u32 s8, $0xFFFFF086  }
0x1c: {  	p1 =	slt.u32 s9, $0xF7A;
	s5 =	simm.s32 @!p2 $0x0  }
0x1d: {  	s5 =	simm.s32 @p1 $0x1;
	p0 =	seq.s32 s7, s2  }
0x1e: {  	s7 =	smul.u32 @!p0 $0xF7A, s2;
	p2 =	seq.s32 @!p0 s5, $0x0  }
0x1f: {  	s9 =	smul.u32 $0xF7A, s1;
	s8 =	simm.s32 @!p0 $0x1BF5;
	p2 =	por !p2, p0  }
0x20: {  	[sflag:s8] =	ssyncset.s32 @!p0 $0xFFFFF086;
	s6 =	sadd.s32 @!p0 s3, s7;
	s7 =	simm.s32 @!p0 $0x108  }
0x21: {  	s3 =	sadd.s32 s3, s9;
	s6 =	sadd.s32 @!p0 $0x88, s6;
	s7 =	simm.s32 @p2 $0x1082  }
0x22: {  	[simem:s7], [sflag:s8] =	dma.local @!p0 [hbm:s6], $0xF7A  }
0x23: {  	s9 =	sor.u32 $0xD0000000, s2;
	s6 =	simm.s32 $0x108;
	_ =	swait.ge @!p0 [sflag:s8], $0x0  }
0x24: {  	s3 =	sadd.s32 $0x88, s3;
	s6 =	simm.s32 @!p1 $0x1082;
	[sflag:s4] =	ssyncset.s32 $0xFFFFF086  }
0x25: {  	[simem:s6], [sflag:s4] =	dma.local [hbm:s3], $0xF7A  }
0x26: {  	[smem:$0x3F90] =	sst s1;
	(tag) =	ssettag s2;
	_ =	strace s9  }
0x27: {  	s1 =	sld [smem:$0x3FA0]  }
0x28: {  	s2 =	sld [smem:$0x3FA1]  }
0x29: {  	s4 =	sld [smem:$0x3FA3]  }
0x2a: {  	p0 =	seq.s32 s5, $0x0;
	s5 =	sld [smem:$0x3FA4]  }
0x2b: {  	s6 =	sld [smem:$0x3FA5]  }
0x2c: {  	s7 =	sld [smem:$0x3FA6]  }
0x2d: {  	s3 =	simm.s32 $0x108;
	s8 =	sld [smem:$0x3FA7]  }
0x2e: {  	s3 =	simm.s32 @!p0 $0x1082;
	s9 =	sld [smem:$0x3FA8]  }
0x2f: {  	lr =	sadd.s32 s0, s3;
	s0 =	sld [smem:$0x3F9F]  }
0x30: {  	s3 =	sld [smem:$0x3FA2]  }
0x31: {  	[smem:$0x3FAB] =	sst s10  }
0x32: {  	s10 =	sld [smem:$0x3FA9];
	_ =	sdelay $0x3  }
0x33: {  	p0 =	seq.s32 s10, $0x1;
	s10 =	sld [smem:$0x3FAB];
	_ =	sdelay $0x3  }
0x34: {  	[smem:$0x3FAB] =	sst s10  }
0x35: {  	s10 =	sld [smem:$0x3FAA];
	_ =	sdelay $0x3  }
0x36: {  	p1 =	seq.s32 s10, $0x1;
	s10 =	sld [smem:$0x3FAB];
	_ =	sdelay $0x3  }
0x37: {  	[smem:$0x3FAB] =	sst s10  }
0x38: {  	s10 =	sld [smem:$0x3FAC]  }
0x39: {  	_ = 	snop;
	(pc) =	sbr.ind lr, $3  }
0x3a: {  	_ = 	snop  }
0x3b: {  	_ = 	snop  }
0x3c: {  	p2 =	seq.s32 s10, $0x1;
	s10 =	sld [smem:$0x3FAB]  }
0x3d: {  	_ =	shalt  }
0x3e: {  	_ =	shalt  }
0x3f: {  	_ =	shalt  }
0x40: {  	_ =	shalt  }
0x41: {  	_ =	shalt  }
0x42: {  	_ =	shalt  }
0x43: {  	_ =	shalt  }
0x44: {  	_ =	shalt  }
0x45: {  	_ =	shalt  }
0x46: {  	_ =	shalt  }
0x47: {  	_ =	shalt  }
0x48: {  	_ =	shalt  }
0x49: {  	_ =	shalt  }
0x4a: {  	_ =	shalt  }
0x4b: {  	_ =	shalt  }
0x4c: {  	_ =	shalt  }
0x4d: {  	_ =	shalt  }
0x4e: {  	_ =	shalt  }
0x4f: {  	_ =	shalt  }
0x50: {  	_ =	shalt  }
0x51: {  	_ =	shalt  }
0x52: {  	_ =	shalt  }
0x53: {  	_ =	shalt  }
0x54: {  	_ =	shalt  }
0x55: {  	_ =	shalt  }
0x56: {  	_ =	shalt  }
0x57: {  	_ =	shalt  }
0x58: {  	_ =	shalt  }
0x59: {  	_ =	shalt  }
0x5a: {  	_ =	shalt  }
0x5b: {  	_ =	shalt  }
0x5c: {  	_ =	shalt  }
0x5d: {  	_ =	shalt  }
0x5e: {  	_ =	shalt  }
0x5f: {  	_ =	shalt  }
0x60: {  	_ =	shalt  }
0x61: {  	_ =	shalt  }
0x62: {  	_ =	shalt  }
0x63: {  	_ =	shalt  }
0x64: {  	_ =	shalt  }
0x65: {  	_ =	shalt  }
0x66: {  	_ =	shalt  }
0x67: {  	_ =	shalt  }
0x68: {  	_ =	shalt  }
0x69: {  	_ =	shalt  }
0x6a: {  	_ =	shalt  }
0x6b: {  	_ =	shalt  }
0x6c: {  	_ =	shalt  }
0x6d: {  	_ =	shalt  }
0x6e: {  	_ =	shalt  }
0x6f: {  	_ =	shalt  }
0x70: {  	_ =	shalt  }
0x71: {  	_ =	shalt  }
0x72: {  	_ =	shalt  }
0x73: {  	_ =	shalt  }
0x74: {  	_ =	shalt  }
0x75: {  	_ =	shalt  }
0x76: {  	_ =	shalt  }
0x77: {  	_ =	shalt  }
0x78: {  	_ =	shalt  }
0x79: {  	_ =	shalt  }
0x7a: {  	_ =	shalt  }
0x7b: {  	_ =	shalt  }
0x7c: {  	_ =	shalt  }
0x7d: {  	_ =	shalt  }
0x7e: {  	_ =	shalt  }
0x7f: {  	_ =	shalt  }
0x80: {  	_ =	shalt  }
0x81: {  	_ =	shalt  }
0x82: {  	_ =	shalt  }
0x83: {  	_ =	shalt  }
0x84: {  	_ =	shalt  }
0x85: {  	_ =	shalt  }
0x86: {  	_ =	shalt  }
0x87: {  	_ =	shalt  }
.Lfunc_end0:
.L_simem_size_0:
called_computation.3_lowered:
.L_overlay_start_0:
0x88: {  	s2 =	sld [smem:$0x3FD9]  }
0x89: {  	s3 =	sld [smem:$0x3FFE];
	_ =	sdelay $0x1  }
0x8a: {  	s1 =	srdreg.scid  }
0x8b: {  	s0 =	sand.u32 $0x1, s1  }
0x8c: {  	s14 =	sshll.u32 s0, $0xA;
	s2 =	sadd.s32 s3, s2  }
0x8d: {  	s2 =	sadd.s32 s2, s14  }
0x8e: {  	[smem:$0x3FB7] =	sst s2  }
0x8f: {  	_ = 	snop  }
0x90: {  	s2 =	sld [smem:$0x3FD0];
	_ =	sdelay $0x2  }
0x91: {  	s15 =	simm.s32 $0xA;
	s4 =	simm.s32 $0x10  }
0x92: {  	[smem:s4], [sflag:s15] =	dma.local [hbm:s2], $0x1  }
0x93: {  	_ =	swait.eq [sflag:s15], $0x1  }
0x94: {  	[sflag:s15] =	ssyncset.done $0x0  }
0x95: {  	[sflag:s15] =	ssyncadd.s32 $0xFFFFFFFF  }
0x96: {  	s16 =	sld [smem:$0x11];
	(tm) =	ssettm $0x1  }
0x97: {  	s17 =	sld [smem:$0x3FFB];
	_ =	sdelay $0x3  }
0x98: {  	_ =	strace s17  }
0x99: {  	s3 =	sld [smem:$0x3FFC];
	_ =	sdelay $0x3  }
0x9a: {  	_ =	strace s3  }
0x9b: {  	s3 =	sld [smem:$0x3FFD];
	_ =	sdelay $0x3  }
0x9c: {  	_ =	strace s3  }
0x9d: {  	_ =	strace $0x8FFFFFFF  }
0x9e: {  	s18 =	sld [smem:$0x3FDB];
	_ =	sdelay $0x1  }
0x9f: {  	s19 =	simm.s32 $_scs_section_size  }
0xa0: {  	s5 =	simm.s32 $_size__tile_overlayer_lowered;
	s6 =	simm.s32 $_tile_overlayer_lowered  }
0xa1: {  	s22 =	simm.s32 $0x1BFF;
	s21 =	sshll.u32 s6, $0x1;
	s3 =	sadd.s32 s19, s18  }
0xa2: {  	s7 =	simm.s32 $0x0;
	s20 =	sshll.u32 s5, $0x1;
	s5 =	sadd.s32 s21, s3  }
0xa3: {  	[timem:s7], [sflag:s22] =	dma.local [hbm:s5], s20  }
0xa4: {  	_ =	swait.ge [sflag:s22], s20  }
0xa5: {  	s4 =	ssub.s32 $0x0, s20;
	[sflag:s22] =	ssyncset.done $0x0  }
0xa6: {  	[sflag:s22] =	ssyncadd.s32 s4;
	_ =	sdelay $0x1  }
0xa7: {  	s23 =	simm.s32 $0x1B8B  }
0xa8: {  	_ =	swait.ge [sflag:s23], $0x1  }
0xa9: {  	[sflag:s23] =	ssyncset.done $0x0  }
0xaa: {  	s25 =	simm.s32 $0x1B8E;
	s24 =	sld [smem:$0x3FFE];
	[sflag:s23] =	ssyncadd.s32 $0xFFFFFFFF  }
0xab: {  	s26 =	simm.s32 $execute0_lowered;
	[smem:$0x3FD2] =	sst s25  }
0xac: {  	s5 =	sshll.u32 s26, $0x1;
	_ =	strace $0x8000004F;
	[dreg:$0x1] =	wrdreg $0xFFFFFFFF  }
0xad: {  	s28 =	simm.s32 $_size_execute0_lowered;
	s3 =	sadd.s32 s3, s5;
	[dreg:$0x0] =	wrdreg $0x0  }
0xae: {  	s5 =	sshll.u32 s28, $0x1;
	[dreg:$0x2] =	wrdreg s3  }
0xaf: {  	[dreg:$0x3] =	wrdreg s5  }
0xb0: {  	[dreg:$0x4] =	wrdreg $0xC0  }
0xb1: {  	_ =	task [dreg:s7], $0x5FFFF  }
0xb2: {  	[dreg:$0x1] =	wrdreg $0xFFFFFFFF  }
0xb3: {  	[dreg:$0x0] =	wrdreg $0x60  }
0xb4: {  	[dreg:$0x2] =	wrdreg s16  }
0xb5: {  	[dreg:$0x3] =	wrdreg s24  }
0xb6: {  	[dreg:$0x4] =	wrdreg $0x9  }
0xb7: {  	_ =	task.clear_ibuf [dreg:s7], $0x5FFFF;
	_ =	strace $0x9000004F  }
0xb8: {  	s29 =	simm.s32 $0x9;
	_ =	strace $0x80000051  }
0xb9: {  	_ =	swait.ge [sflag:s29], $0x1  }
0xba: {  	[sflag:s29] =	ssyncadd.s32 $0xFFFFFFFF  }
0xbb: {  	_ =	strace $0x90000051  }
0xbc: {  	_ =	sfence  }
0xbd: {  	s30 =	sld [smem:$0x0];
	_ =	sdelay $0x2  }
0xbe: {  	s31 =	sshll.u32 s1, $0xD;
	s1 =	sshrl.u32 s1, $0x2  }
0xbf: {  	s3 =	sand.u32 $0x4000, s31;
	s1 =	sadd.s32 s1, s30  }
0xc0: {  	s0 =	sor.u32 s3, s0;
	s1 =	sshll.u32 s1, $0x11  }
0xc1: {  	s0 =	sor.u32 s1, s0  }
0xc2: {  	s0 =	sadd.s32 $0x8F2B, s0  }
0xc3: {  	[sflag:s0] =	ssyncadd.remote.s32 $0x1  }
0xc4: {  	_ =	sfence.sel $0xFFFF  }
0xc5: {  	[dreg:$0x0] =	wrdreg $0xFFFFFFFF;
	(pc) =	sbr.abs _section_cstart, $3  }
0xc6: {  	[dreg:$0x1] =	wrdreg $0xFFFFFFFF  }
0xc7: {  	_ =	task.clear_ibuf [dreg:s7], $0x2FFFF;
	_ =	strace $0x9FFFFFFF  }
0xc8: {  	(tm) =	ssettm $0x7FFFFFFF  }
0xc9: {  	_ =	shalt  }
tec
execute0_lowered:
.L_overlay_start_1:
0x0: {  	(tag) =	ssettag $0x1  }
0x1: {  	s1 =	rddreg [dreg:$0x0]  }
0x2: {  	s4 =	rddreg [dreg:$0x1]  }
0x3: {  	s0 =	rddreg [dreg:$0x2];
	s5 =	srdreg.scid  }
0x4: {  	s3 =	simm.s32 $0x0;
	s2 =	stileid.u32;
	s10 =	simm.s32 $0x0  }
0x5: {  	s5 =	sand.u32 $0x1, s5;
	[smem:$0x7FF] =	sst s3;
	s6 =	sshll.u32 s2, $0xB  }
0x6: {  	s8 =	sshll.u32 s2, $0xF;
	s7 =	sshll.u32 s5, $0xA;
	_ =	strace $0x80000050  }
0x7: {  	s31 =	ssub.s32 $0x2, s5;
	s8 =	sadd.s32 s8, s4;
	s5 =	sshll.u32 s5, $0xE  }
0x8: {  	s6 =	sor.u32 s7, s6;
	s9 =	sshrl.u32 s31, $0x1;
	s5 =	sadd.s32 s5, s8  }
0x9: {  	s8 =	simm.s32 $0x80;
	s6 =	sshrl.u32 s6, $0x3;
	s7 =	ssub.s32 s31, s9  }
0xa: {  	s5 =	sadd.s32 $0x3A00, s5;
	s9 =	simm.s32 $0x1;
	s6 =	sadd.s32 s6, s4  }
0xb: {  	s4 =	smax.u32 s7, $0x1;
	s7 =	simm.s32 $0x2;
	s6 =	sadd.s32 $0x145A00, s6  }
.LBB2_1:
0xc: {  	s11 =	sadd.s32 $0x0, s6  }
0xd: {  	[tilespmem:s3], [sflag:$0x2] =	stream.linear.gather [hbm4b:s11+s3], $0x80, $0x38;
	[tilespmem:$0x4080] =	vst v63  }
0xe: {  	_ =	swait.ge [sflag:s7], $0x80  }
0xf: {  	[sflag:s7] =	ssyncset.done $0x0  }
0x10: {  	[sflag:s7] =	ssyncadd.s32 $0xFFFFFF80  }
0x11: {  	[tilespmem:s8], [sflag:$0x1] =	stream.indirect.gather [hbm4b:s1+s8], $0x80, s3, s8, $0xb8;
	[tilespmem:$0x4080] =	vst v63  }
0x12: {  	_ =	swait.ge [sflag:s9], $0x4000  }
0x13: {  	[sflag:s9] =	ssyncset.done $0x0  }
0x14: {  	[sflag:s9] =	ssyncadd.s32 $0xFFFFC000  }
0x15: {  	[hbm4b:s5+s3] =	stream.linear.scatter [tilespmem:s8], [sflag:$0x2], $0x4000, $0x38;
	[tilespmem:$0x4080] =	vst v63  }
0x16: {  	s12 =	simm.s32 $0x10;
	_ =	swait.ge [sflag:s7], $0x4000  }
0x17: {  	s13 =	simm.s32 $0x20;
	s11 =	sadd.s32 $0x800, s5;
	[sflag:s7] =	ssyncset.done $0x0  }
.LBB2_2:
0x18: {  	s14 =	sadd.s32 s12, s6  }
0x19: {  	[sflag:s7] =	ssyncadd.s32 $0xFFFFC000;
	s12 =	smov.u32 s13;
	s15 =	sadd.s32 $0x10, s13  }
0x1a: {  	[tilespmem:s3], [sflag:$0x2] =	stream.linear.gather [hbm4b:s14+s3], $0x80, $0x38;
	[tilespmem:$0x4080] =	vst v63  }
0x1b: {  	p0 =	sne.s32 s13, $0x70;
	_ =	swait.ge [sflag:s7], $0x80  }
0x1c: {  	[sflag:s7] =	ssyncset.done $0x0  }
0x1d: {  	[sflag:s7] =	ssyncadd.s32 $0xFFFFFF80  }
0x1e: {  	[tilespmem:s8], [sflag:$0x1] =	stream.indirect.gather [hbm4b:s1+s8], $0x80, s3, s8, $0xb8;
	[tilespmem:$0x4080] =	vst v63  }
0x1f: {  	_ =	swait.ge [sflag:s9], $0x4000  }
.Ltmp0:
0x20: {  	[sflag:s9] =	ssyncset.done $0x0;
	(pc) =	sbr.rel @p0 .LBB2_2-.Ltmp0, $4  }
0x21: {  	[sflag:s9] =	ssyncadd.s32 $0xFFFFC000  }
0x22: {  	[hbm4b:s11+s3] =	stream.linear.scatter [tilespmem:s8], [sflag:$0x2], $0x4000, $0x38;
	[tilespmem:$0x4080] =	vst v63  }
0x23: {  	_ =	swait.ge [sflag:s7], $0x4000  }
0x24: {  	s13 =	smov.u32 s15;
	s11 =	sadd.s32 $0x800, s11;
	[sflag:s7] =	ssyncset.done $0x0  }
0x25: {  	s12 =	sadd.s32 s12, s6;
	[sflag:s7] =	ssyncadd.s32 $0xFFFFC000  }
0x26: {  	[tilespmem:s3], [sflag:$0x2] =	stream.linear.gather [hbm4b:s12+s3], $0x80, $0x38;
	[tilespmem:$0x4080] =	vst v63  }
0x27: {  	_ =	swait.ge [sflag:s7], $0x80  }
0x28: {  	[sflag:s7] =	ssyncset.done $0x0  }
0x29: {  	[sflag:s7] =	ssyncadd.s32 $0xFFFFFF80  }
0x2a: {  	[tilespmem:s8], [sflag:$0x1] =	stream.indirect.gather [hbm4b:s1+s8], $0x80, s3, s8, $0xb8;
	[tilespmem:$0x4080] =	vst v63  }
0x2b: {  	s10 =	sadd.s32 $0x1, s10;
	_ =	swait.ge [sflag:s9], $0x4000  }
0x2c: {  	p0 =	sne.s32 s10, s4;
	[sflag:s9] =	ssyncset.done $0x0  }
.Ltmp1:
0x2d: {  	[sflag:s9] =	ssyncadd.s32 $0xFFFFC000;
	(pc) =	sbr.rel @p0 .LBB2_1-.Ltmp1, $4  }
0x2e: {  	[hbm4b:s11+s3] =	stream.linear.scatter [tilespmem:s8], [sflag:$0x2], $0x4000, $0x38;
	[tilespmem:$0x4080] =	vst v63  }
0x2f: {  	_ =	swait.ge [sflag:s7], $0x4000  }
0x30: {  	[sflag:s7] =	ssyncset.done $0x0  }
0x31: {  	[sflag:s7] =	ssyncadd.s32 $0xFFFFC000  }
0x32: {  	_ =	sfence.sel $0x180000  }
0x33: {  	[bflag:$0x0] =	sbarrier.arrive $0xFFFF  }
0x34: {  	p0 =	sne.s32 s2, $0x0;
	_ =	strace $0x90000050  }
0x35: {  	s0 =	sadd.s32 @!p0 $0x100000, s0;
	[bflag:$0x2] =	sbarrier.arrive $0xFFFF  }
0x36: {  	[sflag:s0] =	ssyncadd.tile.s32 @!p0 $0x1;
	_ =	shalt  }
.Lfunc_end2:
_tile_overlayer_lowered:
.L_overlay_start_2:
0x37: {  	(tag) =	ssettag $0x2  }
0x38: {  	s0 =	rddreg [dreg:$0x0];
	s2 =	stileid.u32  }
0x39: {  	s1 =	rddreg [dreg:$0x1];
	p0 =	sne.s32 s2, $0x0  }
0x3a: {  	s3 =	rddreg [dreg:$0x2];
	[bflag:$0x3] =	sbarrier.arrive $0xFFFF;
	s2 =	simm.s32 @!p0 $0x1C02  }
0x3b: {  	[timem:s3], [sflag:s2] =	dma.local @!p0 [hbm:s0], s1  }
0x3c: {  	s0 =	simm.s32 @!p0 $0x2  }
0x3d: {  	_ =	swait.ge @!p0 [sflag:s0], s1  }
0x3e: {  	s1 =	ssub.s32 @!p0 $0x0, s1;
	[sflag:s0] =	ssyncset.done @!p0 $0x0  }
0x3f: {  	[sflag:s0] =	ssyncadd.s32 @!p0 s1  }
0x40: {  	[bflag:$0x3] =	sbarrier.arrive $0xFFFF  }
0x41: {  	_ =	shalt  }

</sc_bundles>
